<compile_context>
chip_gen: v7x
topology: tpu7x:2x2x1
jax: 0.10.2.dev20260603
libtpu: 0.0.44.dev20260713+nightly
codegen_flags: <defaults>
</compile_context>

<pallas_src>
import functools
import jax
import jax.numpy as jnp
from jax import lax
from jax.experimental import pallas as pl
from jax.experimental.pallas import tpu as pltpu
from jax.experimental.pallas import tpu_sc as plsc

N = 4096
NW = 32
RPT = N // NW
G = 8
NGROUP = RPT // G
NWORD = N // 64
NR = N // 4


def _sc_body(x_hbm, m_hbm, o_hbm, xbuf, mbuf, obuf):
    c = lax.axis_index("c")
    s = lax.axis_index("s")
    wid = s * 2 + c
    iota = lax.iota(jnp.int32, 16)
    shifts = (iota & 3) * 8
    last = jnp.full((16,), 15, jnp.int32)
    dnums = lax.GatherDimensionNumbers(
        offset_dims=(), collapsed_slice_dims=(0,), start_index_map=(0,))

    def vgather(v, idx):
        return lax.gather(v, idx[:, None], dnums, slice_sizes=(1,),
                          mode=lax.GatherScatterMode.PROMISE_IN_BOUNDS)

    def do_group(g, _):
        row0 = wid * RPT + g * G
        pltpu.sync_copy(x_hbm.at[pl.ds(row0, G)], xbuf)
        pltpu.sync_copy(m_hbm.at[pl.ds(row0, G)], mbuf)

        def unit(i, carries):
            carries = list(carries)
            for r in range(G):
                w = mbuf[r, pl.ds(i * 16, 16)]
                for cc in range(4):
                    col = i * 64 + cc * 16
                    xv = xbuf[r, pl.ds(col, 16)]
                    wsel = vgather(w, (iota >> 2) + 4 * cc)
                    mb = (wsel >> shifts) & 1
                    v = xv * mb.astype(jnp.float32)
                    cs = jnp.cumsum(v) + carries[r]
                    obuf[r, pl.ds(col, 16)] = cs
                    carries[r] = vgather(cs, last)
            return tuple(carries)

        zero = jnp.zeros((16,), jnp.float32)
        lax.fori_loop(0, NWORD, unit, (zero,) * G)
        pltpu.sync_copy(obuf, o_hbm.at[pl.ds(row0, G)])
        return 0

    lax.fori_loop(0, NGROUP, do_group, 0)


def kernel(x, mask):
    mesh = plsc.VectorSubcoreMesh(core_axis_name="c", subcore_axis_name="s")
    f = functools.partial(
        pl.kernel, mesh=mesh,
        out_type=jax.ShapeDtypeStruct((N, N), jnp.float32),
        scratch_types=[
            pltpu.VMEM((G, N), jnp.float32),
            pltpu.VMEM((G, NR), jnp.int32),
            pltpu.VMEM((G, N), jnp.float32),
        ],
        compiler_params=pltpu.CompilerParams(
            needs_layout_passes=False, use_tc_tiling_on_sc=True),
    )(_sc_body)
    mw = lax.bitcast_convert_type(
        mask.view(jnp.uint8).reshape(N, NR, 4), jnp.int32)
    return f(x, mw)

# --- scband reference (transcript-rebuilt; emitter-appended) ---
"""Pipeline reference for scband-model-new-4810363371769 (READ-ONLY COPY).

The authoritative reference and input builder live on the scoring server;
editing this copy changes nothing except your own understanding.
"""

import jax, jax.numpy as jnp
import numpy as np


def setup_inputs(seed: int = 0) -> dict:
    key = jax.random.key(seed)
    k1, k2 = jax.random.split(key)
    x = jax.random.normal(k1, (4096, 4096), dtype=jnp.float32)
    mask = jax.random.randint(k2, (4096, 4096), 0, 2).astype(jnp.bool_)
    return {"x": x, "mask": mask}


def reference(x, mask):
    # Masked cumulative sum along dim=1: elements where mask is False
    # contribute 0 to the running sum (faithful to the CUDA kernel, which
    # writes the running sum at every position, masked or not).
    masked = jnp.where(mask, x, jnp.zeros_like(x))
    return jnp.cumsum(masked, axis=1)

if __name__ == "__main__":
    import jax
    _d = setup_inputs()
    print(jax.jit(kernel)(*tuple(_d.values())))

</pallas_src>

<mosaic_0001>
#map = affine_map<(d0, d1) -> (0, 0)>
module attributes {stable_mosaic.version = 14 : i64} {
  func.func @_sc_body(%arg0: i32, %arg1: i32, %arg2: memref<4096x4096xf32, #tpu.memory_space<hbm>>, %arg3: memref<4096x1024xi32, #tpu.memory_space<hbm>>, %arg4: memref<4096x4096xf32, #tpu.memory_space<hbm>>, %arg5: memref<8x4096xf32, #tpu.memory_space<vmem>>, %arg6: memref<8x1024xi32, #tpu.memory_space<vmem>>, %arg7: memref<8x4096xf32, #tpu.memory_space<vmem>>) attributes {dimension_semantics = [#tpu.dimension_semantics<core_parallel>, #tpu.dimension_semantics<subcore_parallel>], iteration_bounds = array<i64: 2, 16>, scalar_prefetch = 0 : i64, scratch_operands = 3 : i64, tpu.core_type = #tpu.core_type<sc_vector_subcore>, window_params = [{transform_indices = #map}, {transform_indices = #map}, {transform_indices = #map}]} {
    %mul3A = arith.constant 2 : i32
    %mul3A_0 = arith.muli %arg1, %mul3A : i32
    %add3A = arith.addi %mul3A_0, %arg0 : i32
    %iota3A = tpu.iota {dimensions = array<i32: 0>} : vector<16xi32>
    %and3A = arith.constant 3 : i32
    %and3A_1 = vector.broadcast %and3A : i32 to vector<16xi32>
    %and3A_2 = arith.andi %iota3A, %and3A_1 : vector<16xi32>
    %mul3A_3 = arith.constant 8 : i32
    %mul3A_4 = vector.broadcast %mul3A_3 : i32 to vector<16xi32>
    %mul3A_5 = arith.muli %and3A_2, %mul3A_4 : vector<16xi32>
    %broadcast_in_dim3A = arith.constant 15 : i32
    %broadcast_in_dim3A_6 = vector.broadcast %broadcast_in_dim3A : i32 to vector<16xi32>
    %scan3A = arith.constant 0 : i32
    %scan3A_7 = arith.constant 0 : i32
    %scan3A_8 = arith.constant 16 : i32
    %scan3A_9 = arith.addi %scan3A_7, %scan3A_8 : i32
    %scan3A_10 = arith.constant 1 : i32
    %scan3A_11 = scf.for %scan3A_13 = %scan3A_7 to %scan3A_9 step %scan3A_10 iter_args(%scan3A_14 = %scan3A) -> (i32)  : i32 {
      %mul3A_15 = arith.constant 128 : i32
      %mul3A_16 = arith.muli %add3A, %mul3A_15 : i32
      %mul3A_17 = arith.constant 8 : i32
      %mul3A_18 = arith.muli %scan3A_13, %mul3A_17 : i32
      %add3A_19 = arith.addi %mul3A_16, %mul3A_18 : i32
      "tpu.region"() ({
        %run_scoped3A = tpu.sem_alloc : memref<!tpu.dma_semaphore, #tpu.memory_space<semaphore_mem>>
        %dma_start3A = arith.constant 0 : i32
        %dma_start3A_29 = tpu.memref_slice %arg2[%add3A_19, %dma_start3A] : memref<4096x4096xf32, #tpu.memory_space<hbm>> -> memref<8x4096xf32, #tpu.memory_space<hbm>>
        %dma_start3A_30 = arith.constant 0 : i32
        %dma_start3A_31 = tpu.memref_slice %arg2[%add3A_19, %dma_start3A_30] : memref<4096x4096xf32, #tpu.memory_space<hbm>> -> memref<8x4096xf32, #tpu.memory_space<hbm>>
        tpu.enqueue_dma source(%dma_start3A_31 : memref<8x4096xf32, #tpu.memory_space<hbm>>) target(%arg5 : memref<8x4096xf32, #tpu.memory_space<vmem>>) target_semaphore(%run_scoped3A : memref<!tpu.dma_semaphore, #tpu.memory_space<semaphore_mem>>)
        %dma_wait3A = arith.constant 0 : i32
        %dma_wait3A_32 = tpu.memref_slice %arg2[%add3A_19, %dma_wait3A] : memref<4096x4096xf32, #tpu.memory_space<hbm>> -> memref<8x4096xf32, #tpu.memory_space<hbm>>
        %dma_wait3A_33 = arith.constant 0 : i32
        %dma_wait3A_34 = tpu.memref_slice %arg2[%add3A_19, %dma_wait3A_33] : memref<4096x4096xf32, #tpu.memory_space<hbm>> -> memref<8x4096xf32, #tpu.memory_space<hbm>>
        tpu.wait_dma2 semaphore(%run_scoped3A : memref<!tpu.dma_semaphore, #tpu.memory_space<semaphore_mem>>) src(%dma_wait3A_34 : memref<8x4096xf32, #tpu.memory_space<hbm>>) dst(%arg5 : memref<8x4096xf32, #tpu.memory_space<vmem>>)
        tpu.yield
      }) : () -> ()
      "tpu.region"() ({
        %run_scoped3A = tpu.sem_alloc : memref<!tpu.dma_semaphore, #tpu.memory_space<semaphore_mem>>
        %dma_start3A = arith.constant 0 : i32
        %dma_start3A_29 = tpu.memref_slice %arg3[%add3A_19, %dma_start3A] : memref<4096x1024xi32, #tpu.memory_space<hbm>> -> memref<8x1024xi32, #tpu.memory_space<hbm>>
        %dma_start3A_30 = arith.constant 0 : i32
        %dma_start3A_31 = tpu.memref_slice %arg3[%add3A_19, %dma_start3A_30] : memref<4096x1024xi32, #tpu.memory_space<hbm>> -> memref<8x1024xi32, #tpu.memory_space<hbm>>
        tpu.enqueue_dma source(%dma_start3A_31 : memref<8x1024xi32, #tpu.memory_space<hbm>>) target(%arg6 : memref<8x1024xi32, #tpu.memory_space<vmem>>) target_semaphore(%run_scoped3A : memref<!tpu.dma_semaphore, #tpu.memory_space<semaphore_mem>>)
        %dma_wait3A = arith.constant 0 : i32
        %dma_wait3A_32 = tpu.memref_slice %arg3[%add3A_19, %dma_wait3A] : memref<4096x1024xi32, #tpu.memory_space<hbm>> -> memref<8x1024xi32, #tpu.memory_space<hbm>>
        %dma_wait3A_33 = arith.constant 0 : i32
        %dma_wait3A_34 = tpu.memref_slice %arg3[%add3A_19, %dma_wait3A_33] : memref<4096x1024xi32, #tpu.memory_space<hbm>> -> memref<8x1024xi32, #tpu.memory_space<hbm>>
        tpu.wait_dma2 semaphore(%run_scoped3A : memref<!tpu.dma_semaphore, #tpu.memory_space<semaphore_mem>>) src(%dma_wait3A_34 : memref<8x1024xi32, #tpu.memory_space<hbm>>) dst(%arg6 : memref<8x1024xi32, #tpu.memory_space<vmem>>)
        tpu.yield
      }) : () -> ()
      %broadcast_in_dim3A_20 = arith.constant 0.000000e+00 : f32
      %broadcast_in_dim3A_21 = vector.broadcast %broadcast_in_dim3A_20 : f32 to vector<16xf32>
      %scan3A_22 = arith.constant 0 : i32
      %scan3A_23 = arith.constant 64 : i32
      %scan3A_24 = arith.addi %scan3A_22, %scan3A_23 : i32
      %scan3A_25 = arith.constant 1 : i32
      %scan3A_26:8 = scf.for %scan3A_29 = %scan3A_22 to %scan3A_24 step %scan3A_25 iter_args(%scan3A_30 = %broadcast_in_dim3A_21, %scan3A_31 = %broadcast_in_dim3A_21, %scan3A_32 = %broadcast_in_dim3A_21, %scan3A_33 = %broadcast_in_dim3A_21, %scan3A_34 = %broadcast_in_dim3A_21, %scan3A_35 = %broadcast_in_dim3A_21, %scan3A_36 = %broadcast_in_dim3A_21, %scan3A_37 = %broadcast_in_dim3A_21) -> (vector<16xf32>, vector<16xf32>, vector<16xf32>, vector<16xf32>, vector<16xf32>, vector<16xf32>, vector<16xf32>, vector<16xf32>)  : i32 {
        %mul3A_38 = arith.constant 16 : i32
        %mul3A_39 = arith.muli %scan3A_29, %mul3A_38 : i32
        %get3A = arith.constant 0 : i32
        %get3A_40 = arith.index_cast %get3A : i32 to index
        %get3A_41 = arith.index_cast %mul3A_39 : i32 to index
        %get3A_42 = tpu.vector_load %arg6[%get3A_40, %get3A_41] {strides = array<i32>} : memref<8x1024xi32, #tpu.memory_space<vmem>>, vector<16xi32>,
        %mul3A_43 = arith.constant 64 : i32
        %mul3A_44 = arith.muli %scan3A_29, %mul3A_43 : i32
        %add3A_45 = arith.constant 0 : i32
        %add3A_46 = arith.addi %mul3A_44, %add3A_45 : i32
        %get3A_47 = arith.constant 0 : i32
        %get3A_48 = arith.index_cast %get3A_47 : i32 to index
        %get3A_49 = arith.index_cast %add3A_46 : i32 to index
        %get3A_50 = tpu.vector_load %arg5[%get3A_48, %get3A_49] {strides = array<i32>} : memref<8x4096xf32, #tpu.memory_space<vmem>>, vector<16xf32>,
        %shift_right_arithmetic3A = arith.constant 2 : i32
        %shift_right_arithmetic3A_51 = vector.broadcast %shift_right_arithmetic3A : i32 to vector<16xi32>
        %shift_right_arithmetic3A_52 = arith.shrsi %iota3A, %shift_right_arithmetic3A_51 : vector<16xi32>
        %add3A_53 = arith.constant 0 : i32
        %add3A_54 = vector.broadcast %add3A_53 : i32 to vector<16xi32>
        %add3A_55 = arith.addi %shift_right_arithmetic3A_52, %add3A_54 : vector<16xi32>
        %broadcast_in_dim3A_56 = vector.shape_cast %add3A_55 : vector<16xi32> to vector<16x1xi32>
        %gather3A = vector.shape_cast %broadcast_in_dim3A_56 : vector<16x1xi32> to vector<16xi32>
        %gather3A_57 = tpu.dynamic_gather %get3A_42[%gather3A] in [0] : vector<16xi32>, vector<16xi32> -> vector<16xi32>
        %shift_right_arithmetic3A_58 = arith.shrsi %gather3A_57, %mul3A_5 : vector<16xi32>
        %and3A_59 = arith.constant 1 : i32
        %and3A_60 = vector.broadcast %and3A_59 : i32 to vector<16xi32>
        %and3A_61 = arith.andi %shift_right_arithmetic3A_58, %and3A_60 : vector<16xi32>
        %convert_element_type3A = arith.sitofp %and3A_61 : vector<16xi32> to vector<16xf32>
        %mul3A_62 = arith.mulf %get3A_50, %convert_element_type3A : vector<16xf32>
        %cumsum3A = arith.constant true
        %cumsum3A_63 = vector.broadcast %cumsum3A : i1 to vector<16xi1>
        %cumsum3A_64 = tpu.scan <sum>, %mul3A_62 masked %cumsum3A_63 : vector<16xf32>, vector<16xi1> -> vector<16xf32>
        %add3A_65 = arith.addf %cumsum3A_64, %scan3A_30 : vector<16xf32>
        %swap3A = arith.constant 0 : i32
        %swap3A_66 = arith.index_cast %swap3A : i32 to index
        %swap3A_67 = arith.index_cast %add3A_46 : i32 to index
        %swap3A_68 = tpu.vector_load %arg7[%swap3A_66, %swap3A_67] {strides = array<i32>} : memref<8x4096xf32, #tpu.memory_space<vmem>>, vector<16xf32>,
        tpu.vector_store %arg7[%swap3A_66, %swap3A_67], %add3A_65 {strides = array<i32>} : memref<8x4096xf32, #tpu.memory_space<vmem>>, vector<16xf32>,
        %broadcast_in_dim3A_69 = vector.shape_cast %broadcast_in_dim3A_6 : vector<16xi32> to vector<16x1xi32>
        %gather3A_70 = vector.shape_cast %broadcast_in_dim3A_69 : vector<16x1xi32> to vector<16xi32>
        %gather3A_71 = tpu.dynamic_gather %add3A_65[%gather3A_70] in [0] : vector<16xf32>, vector<16xi32> -> vector<16xf32>
        %mul3A_72 = arith.constant 64 : i32
        %mul3A_73 = arith.muli %scan3A_29, %mul3A_72 : i32
        %add3A_74 = arith.constant 16 : i32
        %add3A_75 = arith.addi %mul3A_73, %add3A_74 : i32
        %get3A_76 = arith.constant 0 : i32
        %get3A_77 = arith.index_cast %get3A_76 : i32 to index
        %get3A_78 = arith.index_cast %add3A_75 : i32 to index
        %get3A_79 = tpu.vector_load %arg5[%get3A_77, %get3A_78] {strides = array<i32>} : memref<8x4096xf32, #tpu.memory_space<vmem>>, vector<16xf32>,
        %shift_right_arithmetic3A_80 = arith.constant 2 : i32
        %shift_right_arithmetic3A_81 = vector.broadcast %shift_right_arithmetic3A_80 : i32 to vector<16xi32>
        %shift_right_arithmetic3A_82 = arith.shrsi %iota3A, %shift_right_arithmetic3A_81 : vector<16xi32>
        %add3A_83 = arith.constant 4 : i32
        %add3A_84 = vector.broadcast %add3A_83 : i32 to vector<16xi32>
        %add3A_85 = arith.addi %shift_right_arithmetic3A_82, %add3A_84 : vector<16xi32>
        %broadcast_in_dim3A_86 = vector.shape_cast %add3A_85 : vector<16xi32> to vector<16x1xi32>
        %gather3A_87 = vector.shape_cast %broadcast_in_dim3A_86 : vector<16x1xi32> to vector<16xi32>
        %gather3A_88 = tpu.dynamic_gather %get3A_42[%gather3A_87] in [0] : vector<16xi32>, vector<16xi32> -> vector<16xi32>
        %shift_right_arithmetic3A_89 = arith.shrsi %gather3A_88, %mul3A_5 : vector<16xi32>
        %and3A_90 = arith.constant 1 : i32
        %and3A_91 = vector.broadcast %and3A_90 : i32 to vector<16xi32>
        %and3A_92 = arith.andi %shift_right_arithmetic3A_89, %and3A_91 : vector<16xi32>
        %convert_element_type3A_93 = arith.sitofp %and3A_92 : vector<16xi32> to vector<16xf32>
        %mul3A_94 = arith.mulf %get3A_79, %convert_element_type3A_93 : vector<16xf32>
        %cumsum3A_95 = arith.constant true
        %cumsum3A_96 = vector.broadcast %cumsum3A_95 : i1 to vector<16xi1>
        %cumsum3A_97 = tpu.scan <sum>, %mul3A_94 masked %cumsum3A_96 : vector<16xf32>, vector<16xi1> -> vector<16xf32>
        %add3A_98 = arith.addf %cumsum3A_97, %gather3A_71 : vector<16xf32>
        %swap3A_99 = arith.constant 0 : i32
        %swap3A_100 = arith.index_cast %swap3A_99 : i32 to index
        %swap3A_101 = arith.index_cast %add3A_75 : i32 to index
        %swap3A_102 = tpu.vector_load %arg7[%swap3A_100, %swap3A_101] {strides = array<i32>} : memref<8x4096xf32, #tpu.memory_space<vmem>>, vector<16xf32>,
        tpu.vector_store %arg7[%swap3A_100, %swap3A_101], %add3A_98 {strides = array<i32>} : memref<8x4096xf32, #tpu.memory_space<vmem>>, vector<16xf32>,
        %broadcast_in_dim3A_103 = vector.shape_cast %broadcast_in_dim3A_6 : vector<16xi32> to vector<16x1xi32>
        %gather3A_104 = vector.shape_cast %broadcast_in_dim3A_103 : vector<16x1xi32> to vector<16xi32>
        %gather3A_105 = tpu.dynamic_gather %add3A_98[%gather3A_104] in [0] : vector<16xf32>, vector<16xi32> -> vector<16xf32>
        %mul3A_106 = arith.constant 64 : i32
        %mul3A_107 = arith.muli %scan3A_29, %mul3A_106 : i32
        %add3A_108 = arith.constant 32 : i32
        %add3A_109 = arith.addi %mul3A_107, %add3A_108 : i32
        %get3A_110 = arith.constant 0 : i32
        %get3A_111 = arith.index_cast %get3A_110 : i32 to index
        %get3A_112 = arith.index_cast %add3A_109 : i32 to index
        %get3A_113 = tpu.vector_load %arg5[%get3A_111, %get3A_112] {strides = array<i32>} : memref<8x4096xf32, #tpu.memory_space<vmem>>, vector<16xf32>,
        %shift_right_arithmetic3A_114 = arith.constant 2 : i32
        %shift_right_arithmetic3A_115 = vector.broadcast %shift_right_arithmetic3A_114 : i32 to vector<16xi32>
        %shift_right_arithmetic3A_116 = arith.shrsi %iota3A, %shift_right_arithmetic3A_115 : vector<16xi32>
        %add3A_117 = arith.constant 8 : i32
        %add3A_118 = vector.broadcast %add3A_117 : i32 to vector<16xi32>
        %add3A_119 = arith.addi %shift_right_arithmetic3A_116, %add3A_118 : vector<16xi32>
        %broadcast_in_dim3A_120 = vector.shape_cast %add3A_119 : vector<16xi32> to vector<16x1xi32>
        %gather3A_121 = vector.shape_cast %broadcast_in_dim3A_120 : vector<16x1xi32> to vector<16xi32>
        %gather3A_122 = tpu.dynamic_gather %get3A_42[%gather3A_121] in [0] : vector<16xi32>, vector<16xi32> -> vector<16xi32>
        %shift_right_arithmetic3A_123 = arith.shrsi %gather3A_122, %mul3A_5 : vector<16xi32>
        %and3A_124 = arith.constant 1 : i32
        %and3A_125 = vector.broadcast %and3A_124 : i32 to vector<16xi32>
        %and3A_126 = arith.andi %shift_right_arithmetic3A_123, %and3A_125 : vector<16xi32>
        %convert_element_type3A_127 = arith.sitofp %and3A_126 : vector<16xi32> to vector<16xf32>
        %mul3A_128 = arith.mulf %get3A_113, %convert_element_type3A_127 : vector<16xf32>
        %cumsum3A_129 = arith.constant true
        %cumsum3A_130 = vector.broadcast %cumsum3A_129 : i1 to vector<16xi1>
        %cumsum3A_131 = tpu.scan <sum>, %mul3A_128 masked %cumsum3A_130 : vector<16xf32>, vector<16xi1> -> vector<16xf32>
        %add3A_132 = arith.addf %cumsum3A_131, %gather3A_105 : vector<16xf32>
        %swap3A_133 = arith.constant 0 : i32
        %swap3A_134 = arith.index_cast %swap3A_133 : i32 to index
        %swap3A_135 = arith.index_cast %add3A_109 : i32 to index
        %swap3A_136 = tpu.vector_load %arg7[%swap3A_134, %swap3A_135] {strides = array<i32>} : memref<8x4096xf32, #tpu.memory_space<vmem>>, vector<16xf32>,
        tpu.vector_store %arg7[%swap3A_134, %swap3A_135], %add3A_132 {strides = array<i32>} : memref<8x4096xf32, #tpu.memory_space<vmem>>, vector<16xf32>,
        %broadcast_in_dim3A_137 = vector.shape_cast %broadcast_in_dim3A_6 : vector<16xi32> to vector<16x1xi32>
        %gather3A_138 = vector.shape_cast %broadcast_in_dim3A_137 : vector<16x1xi32> to vector<16xi32>
        %gather3A_139 = tpu.dynamic_gather %add3A_132[%gather3A_138] in [0] : vector<16xf32>, vector<16xi32> -> vector<16xf32>
        %mul3A_140 = arith.constant 64 : i32
        %mul3A_141 = arith.muli %scan3A_29, %mul3A_140 : i32
        %add3A_142 = arith.constant 48 : i32
        %add3A_143 = arith.addi %mul3A_141, %add3A_142 : i32
        %get3A_144 = arith.constant 0 : i32
        %get3A_145 = arith.index_cast %get3A_144 : i32 to index
        %get3A_146 = arith.index_cast %add3A_143 : i32 to index
        %get3A_147 = tpu.vector_load %arg5[%get3A_145, %get3A_146] {strides = array<i32>} : memref<8x4096xf32, #tpu.memory_space<vmem>>, vector<16xf32>,
        %shift_right_arithmetic3A_148 = arith.constant 2 : i32
        %shift_right_arithmetic3A_149 = vector.broadcast %shift_right_arithmetic3A_148 : i32 to vector<16xi32>
        %shift_right_arithmetic3A_150 = arith.shrsi %iota3A, %shift_right_arithmetic3A_149 : vector<16xi32>
        %add3A_151 = arith.constant 12 : i32
        %add3A_152 = vector.broadcast %add3A_151 : i32 to vector<16xi32>
        %add3A_153 = arith.addi %shift_right_arithmetic3A_150, %add3A_152 : vector<16xi32>
        %broadcast_in_dim3A_154 = vector.shape_cast %add3A_153 : vector<16xi32> to vector<16x1xi32>
        %gather3A_155 = vector.shape_cast %broadcast_in_dim3A_154 : vector<16x1xi32> to vector<16xi32>
        %gather3A_156 = tpu.dynamic_gather %get3A_42[%gather3A_155] in [0] : vector<16xi32>, vector<16xi32> -> vector<16xi32>
        %shift_right_arithmetic3A_157 = arith.shrsi %gather3A_156, %mul3A_5 : vector<16xi32>
        %and3A_158 = arith.constant 1 : i32
        %and3A_159 = vector.broadcast %and3A_158 : i32 to vector<16xi32>
        %and3A_160 = arith.andi %shift_right_arithmetic3A_157, %and3A_159 : vector<16xi32>
        %convert_element_type3A_161 = arith.sitofp %and3A_160 : vector<16xi32> to vector<16xf32>
        %mul3A_162 = arith.mulf %get3A_147, %convert_element_type3A_161 : vector<16xf32>
        %cumsum3A_163 = arith.constant true
        %cumsum3A_164 = vector.broadcast %cumsum3A_163 : i1 to vector<16xi1>
        %cumsum3A_165 = tpu.scan <sum>, %mul3A_162 masked %cumsum3A_164 : vector<16xf32>, vector<16xi1> -> vector<16xf32>
        %add3A_166 = arith.addf %cumsum3A_165, %gather3A_139 : vector<16xf32>
        %swap3A_167 = arith.constant 0 : i32
        %swap3A_168 = arith.index_cast %swap3A_167 : i32 to index
        %swap3A_169 = arith.index_cast %add3A_143 : i32 to index
        %swap3A_170 = tpu.vector_load %arg7[%swap3A_168, %swap3A_169] {strides = array<i32>} : memref<8x4096xf32, #tpu.memory_space<vmem>>, vector<16xf32>,
        tpu.vector_store %arg7[%swap3A_168, %swap3A_169], %add3A_166 {strides = array<i32>} : memref<8x4096xf32, #tpu.memory_space<vmem>>, vector<16xf32>,
        %broadcast_in_dim3A_171 = vector.shape_cast %broadcast_in_dim3A_6 : vector<16xi32> to vector<16x1xi32>
        %gather3A_172 = vector.shape_cast %broadcast_in_dim3A_171 : vector<16x1xi32> to vector<16xi32>
        %gather3A_173 = tpu.dynamic_gather %add3A_166[%gather3A_172] in [0] : vector<16xf32>, vector<16xi32> -> vector<16xf32>
        %mul3A_174 = arith.constant 16 : i32
        %mul3A_175 = arith.muli %scan3A_29, %mul3A_174 : i32
        %get3A_176 = arith.constant 1 : i32
        %get3A_177 = arith.index_cast %get3A_176 : i32 to index
        %get3A_178 = arith.index_cast %mul3A_175 : i32 to index
        %get3A_179 = tpu.vector_load %arg6[%get3A_177, %get3A_178] {strides = array<i32>} : memref<8x1024xi32, #tpu.memory_space<vmem>>, vector<16xi32>,
        %mul3A_180 = arith.constant 64 : i32
        %mul3A_181 = arith.muli %scan3A_29, %mul3A_180 : i32
        %add3A_182 = arith.constant 0 : i32
        %add3A_183 = arith.addi %mul3A_181, %add3A_182 : i32
        %get3A_184 = arith.constant 1 : i32
        %get3A_185 = arith.index_cast %get3A_184 : i32 to index
        %get3A_186 = arith.index_cast %add3A_183 : i32 to index
        %get3A_187 = tpu.vector_load %arg5[%get3A_185, %get3A_186] {strides = array<i32>} : memref<8x4096xf32, #tpu.memory_space<vmem>>, vector<16xf32>,
        %shift_right_arithmetic3A_188 = arith.constant 2 : i32
        %shift_right_arithmetic3A_189 = vector.broadcast %shift_right_arithmetic3A_188 : i32 to vector<16xi32>
        %shift_right_arithmetic3A_190 = arith.shrsi %iota3A, %shift_right_arithmetic3A_189 : vector<16xi32>
        %add3A_191 = arith.constant 0 : i32
        %add3A_192 = vector.broadcast %add3A_191 : i32 to vector<16xi32>
        %add3A_193 = arith.addi %shift_right_arithmetic3A_190, %add3A_192 : vector<16xi32>
        %broadcast_in_dim3A_194 = vector.shape_cast %add3A_193 : vector<16xi32> to vector<16x1xi32>
        %gather3A_195 = vector.shape_cast %broadcast_in_dim3A_194 : vector<16x1xi32> to vector<16xi32>
        %gather3A_196 = tpu.dynamic_gather %get3A_179[%gather3A_195] in [0] : vector<16xi32>, vector<16xi32> -> vector<16xi32>
        %shift_right_arithmetic3A_197 = arith.shrsi %gather3A_196, %mul3A_5 : vector<16xi32>
        %and3A_198 = arith.constant 1 : i32
        %and3A_199 = vector.broadcast %and3A_198 : i32 to vector<16xi32>
        %and3A_200 = arith.andi %shift_right_arithmetic3A_197, %and3A_199 : vector<16xi32>
        %convert_element_type3A_201 = arith.sitofp %and3A_200 : vector<16xi32> to vector<16xf32>
        %mul3A_202 = arith.mulf %get3A_187, %convert_element_type3A_201 : vector<16xf32>
        %cumsum3A_203 = arith.constant true
        %cumsum3A_204 = vector.broadcast %cumsum3A_203 : i1 to vector<16xi1>
        %cumsum3A_205 = tpu.scan <sum>, %mul3A_202 masked %cumsum3A_204 : vector<16xf32>, vector<16xi1> -> vector<16xf32>
        %add3A_206 = arith.addf %cumsum3A_205, %scan3A_31 : vector<16xf32>
        %swap3A_207 = arith.constant 1 : i32
        %swap3A_208 = arith.index_cast %swap3A_207 : i32 to index
        %swap3A_209 = arith.index_cast %add3A_183 : i32 to index
        %swap3A_210 = tpu.vector_load %arg7[%swap3A_208, %swap3A_209] {strides = array<i32>} : memref<8x4096xf32, #tpu.memory_space<vmem>>, vector<16xf32>,
        tpu.vector_store %arg7[%swap3A_208, %swap3A_209], %add3A_206 {strides = array<i32>} : memref<8x4096xf32, #tpu.memory_space<vmem>>, vector<16xf32>,
        %broadcast_in_dim3A_211 = vector.shape_cast %broadcast_in_dim3A_6 : vector<16xi32> to vector<16x1xi32>
        %gather3A_212 = vector.shape_cast %broadcast_in_dim3A_211 : vector<16x1xi32> to vector<16xi32>
        %gather3A_213 = tpu.dynamic_gather %add3A_206[%gather3A_212] in [0] : vector<16xf32>, vector<16xi32> -> vector<16xf32>
        %mul3A_214 = arith.constant 64 : i32
        %mul3A_215 = arith.muli %scan3A_29, %mul3A_214 : i32
        %add3A_216 = arith.constant 16 : i32
        %add3A_217 = arith.addi %mul3A_215, %add3A_216 : i32
        %get3A_218 = arith.constant 1 : i32
        %get3A_219 = arith.index_cast %get3A_218 : i32 to index
        %get3A_220 = arith.index_cast %add3A_217 : i32 to index
        %get3A_221 = tpu.vector_load %arg5[%get3A_219, %get3A_220] {strides = array<i32>} : memref<8x4096xf32, #tpu.memory_space<vmem>>, vector<16xf32>,
        %shift_right_arithmetic3A_222 = arith.constant 2 : i32
        %shift_right_arithmetic3A_223 = vector.broadcast %shift_right_arithmetic3A_222 : i32 to vector<16xi32>
        %shift_right_arithmetic3A_224 = arith.shrsi %iota3A, %shift_right_arithmetic3A_223 : vector<16xi32>
        %add3A_225 = arith.constant 4 : i32
        %add3A_226 = vector.broadcast %add3A_225 : i32 to vector<16xi32>
        %add3A_227 = arith.addi %shift_right_arithmetic3A_224, %add3A_226 : vector<16xi32>
        %broadcast_in_dim3A_228 = vector.shape_cast %add3A_227 : vector<16xi32> to vector<16x1xi32>
        %gather3A_229 = vector.shape_cast %broadcast_in_dim3A_228 : vector<16x1xi32> to vector<16xi32>
        %gather3A_230 = tpu.dynamic_gather %get3A_179[%gather3A_229] in [0] : vector<16xi32>, vector<16xi32> -> vector<16xi32>
        %shift_right_arithmetic3A_231 = arith.shrsi %gather3A_230, %mul3A_5 : vector<16xi32>
        %and3A_232 = arith.constant 1 : i32
        %and3A_233 = vector.broadcast %and3A_232 : i32 to vector<16xi32>
        %and3A_234 = arith.andi %shift_right_arithmetic3A_231, %and3A_233 : vector<16xi32>
        %convert_element_type3A_235 = arith.sitofp %and3A_234 : vector<16xi32> to vector<16xf32>
        %mul3A_236 = arith.mulf %get3A_221, %convert_element_type3A_235 : vector<16xf32>
        %cumsum3A_237 = arith.constant true
        %cumsum3A_238 = vector.broadcast %cumsum3A_237 : i1 to vector<16xi1>
        %cumsum3A_239 = tpu.scan <sum>, %mul3A_236 masked %cumsum3A_238 : vector<16xf32>, vector<16xi1> -> vector<16xf32>
        %add3A_240 = arith.addf %cumsum3A_239, %gather3A_213 : vector<16xf32>
        %swap3A_241 = arith.constant 1 : i32
        %swap3A_242 = arith.index_cast %swap3A_241 : i32 to index
        %swap3A_243 = arith.index_cast %add3A_217 : i32 to index
        %swap3A_244 = tpu.vector_load %arg7[%swap3A_242, %swap3A_243] {strides = array<i32>} : memref<8x4096xf32, #tpu.memory_space<vmem>>, vector<16xf32>,
        tpu.vector_store %arg7[%swap3A_242, %swap3A_243], %add3A_240 {strides = array<i32>} : memref<8x4096xf32, #tpu.memory_space<vmem>>, vector<16xf32>,
        %broadcast_in_dim3A_245 = vector.shape_cast %broadcast_in_dim3A_6 : vector<16xi32> to vector<16x1xi32>
        %gather3A_246 = vector.shape_cast %broadcast_in_dim3A_245 : vector<16x1xi32> to vector<16xi32>
        %gather3A_247 = tpu.dynamic_gather %add3A_240[%gather3A_246] in [0] : vector<16xf32>, vector<16xi32> -> vector<16xf32>
        %mul3A_248 = arith.constant 64 : i32
        %mul3A_249 = arith.muli %scan3A_29, %mul3A_248 : i32
        %add3A_250 = arith.constant 32 : i32
        %add3A_251 = arith.addi %mul3A_249, %add3A_250 : i32
        %get3A_252 = arith.constant 1 : i32
        %get3A_253 = arith.index_cast %get3A_252 : i32 to index
        %get3A_254 = arith.index_cast %add3A_251 : i32 to index
        %get3A_255 = tpu.vector_load %arg5[%get3A_253, %get3A_254] {strides = array<i32>} : memref<8x4096xf32, #tpu.memory_space<vmem>>, vector<16xf32>,
        %shift_right_arithmetic3A_256 = arith.constant 2 : i32
        %shift_right_arithmetic3A_257 = vector.broadcast %shift_right_arithmetic3A_256 : i32 to vector<16xi32>
        %shift_right_arithmetic3A_258 = arith.shrsi %iota3A, %shift_right_arithmetic3A_257 : vector<16xi32>
        %add3A_259 = arith.constant 8 : i32
        %add3A_260 = vector.broadcast %add3A_259 : i32 to vector<16xi32>
        %add3A_261 = arith.addi %shift_right_arithmetic3A_258, %add3A_260 : vector<16xi32>
        %broadcast_in_dim3A_262 = vector.shape_cast %add3A_261 : vector<16xi32> to vector<16x1xi32>
        %gather3A_263 = vector.shape_cast %broadcast_in_dim3A_262 : vector<16x1xi32> to vector<16xi32>
        %gather3A_264 = tpu.dynamic_gather %get3A_179[%gather3A_263] in [0] : vector<16xi32>, vector<16xi32> -> vector<16xi32>
        %shift_right_arithmetic3A_265 = arith.shrsi %gather3A_264, %mul3A_5 : vector<16xi32>
        %and3A_266 = arith.constant 1 : i32
        %and3A_267 = vector.broadcast %and3A_266 : i32 to vector<16xi32>
        %and3A_268 = arith.andi %shift_right_arithmetic3A_265, %and3A_267 : vector<16xi32>
        %convert_element_type3A_269 = arith.sitofp %and3A_268 : vector<16xi32> to vector<16xf32>
        %mul3A_270 = arith.mulf %get3A_255, %convert_element_type3A_269 : vector<16xf32>
        %cumsum3A_271 = arith.constant true
        %cumsum3A_272 = vector.broadcast %cumsum3A_271 : i1 to vector<16xi1>
        %cumsum3A_273 = tpu.scan <sum>, %mul3A_270 masked %cumsum3A_272 : vector<16xf32>, vector<16xi1> -> vector<16xf32>
        %add3A_274 = arith.addf %cumsum3A_273, %gather3A_247 : vector<16xf32>
        %swap3A_275 = arith.constant 1 : i32
        %swap3A_276 = arith.index_cast %swap3A_275 : i32 to index
        %swap3A_277 = arith.index_cast %add3A_251 : i32 to index
        %swap3A_278 = tpu.vector_load %arg7[%swap3A_276, %swap3A_277] {strides = array<i32>} : memref<8x4096xf32, #tpu.memory_space<vmem>>, vector<16xf32>,
        tpu.vector_store %arg7[%swap3A_276, %swap3A_277], %add3A_274 {strides = array<i32>} : memref<8x4096xf32, #tpu.memory_space<vmem>>, vector<16xf32>,
        %broadcast_in_dim3A_279 = vector.shape_cast %broadcast_in_dim3A_6 : vector<16xi32> to vector<16x1xi32>
        %gather3A_280 = vector.shape_cast %broadcast_in_dim3A_279 : vector<16x1xi32> to vector<16xi32>
        %gather3A_281 = tpu.dynamic_gather %add3A_274[%gather3A_280] in [0] : vector<16xf32>, vector<16xi32> -> vector<16xf32>
        %mul3A_282 = arith.constant 64 : i32
        %mul3A_283 = arith.muli %scan3A_29, %mul3A_282 : i32
        %add3A_284 = arith.constant 48 : i32
        %add3A_285 = arith.addi %mul3A_283, %add3A_284 : i32
        %get3A_286 = arith.constant 1 : i32
        %get3A_287 = arith.index_cast %get3A_286 : i32 to index
        %get3A_288 = arith.index_cast %add3A_285 : i32 to index
        %get3A_289 = tpu.vector_load %arg5[%get3A_287, %get3A_288] {strides = array<i32>} : memref<8x4096xf32, #tpu.memory_space<vmem>>, vector<16xf32>,
        %shift_right_arithmetic3A_290 = arith.constant 2 : i32
        %shift_right_arithmetic3A_291 = vector.broadcast %shift_right_arithmetic3A_290 : i32 to vector<16xi32>
        %shift_right_arithmetic3A_292 = arith.shrsi %iota3A, %shift_right_arithmetic3A_291 : vector<16xi32>
        %add3A_293 = arith.constant 12 : i32
        %add3A_294 = vector.broadcast %add3A_293 : i32 to vector<16xi32>
        %add3A_295 = arith.addi %shift_right_arithmetic3A_292, %add3A_294 : vector<16xi32>
        %broadcast_in_dim3A_296 = vector.shape_cast %add3A_295 : vector<16xi32> to vector<16x1xi32>
        %gather3A_297 = vector.shape_cast %broadcast_in_dim3A_296 : vector<16x1xi32> to vector<16xi32>
        %gather3A_298 = tpu.dynamic_gather %get3A_179[%gather3A_297] in [0] : vector<16xi32>, vector<16xi32> -> vector<16xi32>
        %shift_right_arithmetic3A_299 = arith.shrsi %gather3A_298, %mul3A_5 : vector<16xi32>
        %and3A_300 = arith.constant 1 : i32
        %and3A_301 = vector.broadcast %and3A_300 : i32 to vector<16xi32>
        %and3A_302 = arith.andi %shift_right_arithmetic3A_299, %and3A_301 : vector<16xi32>
        %convert_element_type3A_303 = arith.sitofp %and3A_302 : vector<16xi32> to vector<16xf32>
        %mul3A_304 = arith.mulf %get3A_289, %convert_element_type3A_303 : vector<16xf32>
        %cumsum3A_305 = arith.constant true
        %cumsum3A_306 = vector.broadcast %cumsum3A_305 : i1 to vector<16xi1>
        %cumsum3A_307 = tpu.scan <sum>, %mul3A_304 masked %cumsum3A_306 : vector<16xf32>, vector<16xi1> -> vector<16xf32>
        %add3A_308 = arith.addf %cumsum3A_307, %gather3A_281 : vector<16xf32>
        %swap3A_309 = arith.constant 1 : i32
        %swap3A_310 = arith.index_cast %swap3A_309 : i32 to index
        %swap3A_311 = arith.index_cast %add3A_285 : i32 to index
        %swap3A_312 = tpu.vector_load %arg7[%swap3A_310, %swap3A_311] {strides = array<i32>} : memref<8x4096xf32, #tpu.memory_space<vmem>>, vector<16xf32>,
        tpu.vector_store %arg7[%swap3A_310, %swap3A_311], %add3A_308 {strides = array<i32>} : memref<8x4096xf32, #tpu.memory_space<vmem>>, vector<16xf32>,
        %broadcast_in_dim3A_313 = vector.shape_cast %broadcast_in_dim3A_6 : vector<16xi32> to vector<16x1xi32>
        %gather3A_314 = vector.shape_cast %broadcast_in_dim3A_313 : vector<16x1xi32> to vector<16xi32>
        %gather3A_315 = tpu.dynamic_gather %add3A_308[%gather3A_314] in [0] : vector<16xf32>, vector<16xi32> -> vector<16xf32>
        %mul3A_316 = arith.constant 16 : i32
        %mul3A_317 = arith.muli %scan3A_29, %mul3A_316 : i32
        %get3A_318 = arith.constant 2 : i32
        %get3A_319 = arith.index_cast %get3A_318 : i32 to index
        %get3A_320 = arith.index_cast %mul3A_317 : i32 to index
        %get3A_321 = tpu.vector_load %arg6[%get3A_319, %get3A_320] {strides = array<i32>} : memref<8x1024xi32, #tpu.memory_space<vmem>>, vector<16xi32>,
        %mul3A_322 = arith.constant 64 : i32
        %mul3A_323 = arith.muli %scan3A_29, %mul3A_322 : i32
        %add3A_324 = arith.constant 0 : i32
        %add3A_325 = arith.addi %mul3A_323, %add3A_324 : i32
        %get3A_326 = arith.constant 2 : i32
        %get3A_327 = arith.index_cast %get3A_326 : i32 to index
        %get3A_328 = arith.index_cast %add3A_325 : i32 to index
        %get3A_329 = tpu.vector_load %arg5[%get3A_327, %get3A_328] {strides = array<i32>} : memref<8x4096xf32, #tpu.memory_space<vmem>>, vector<16xf32>,
        %shift_right_arithmetic3A_330 = arith.constant 2 : i32
        %shift_right_arithmetic3A_331 = vector.broadcast %shift_right_arithmetic3A_330 : i32 to vector<16xi32>
        %shift_right_arithmetic3A_332 = arith.shrsi %iota3A, %shift_right_arithmetic3A_331 : vector<16xi32>
        %add3A_333 = arith.constant 0 : i32
        %add3A_334 = vector.broadcast %add3A_333 : i32 to vector<16xi32>
        %add3A_335 = arith.addi %shift_right_arithmetic3A_332, %add3A_334 : vector<16xi32>
        %broadcast_in_dim3A_336 = vector.shape_cast %add3A_335 : vector<16xi32> to vector<16x1xi32>
        %gather3A_337 = vector.shape_cast %broadcast_in_dim3A_336 : vector<16x1xi32> to vector<16xi32>
        %gather3A_338 = tpu.dynamic_gather %get3A_321[%gather3A_337] in [0] : vector<16xi32>, vector<16xi32> -> vector<16xi32>
        %shift_right_arithmetic3A_339 = arith.shrsi %gather3A_338, %mul3A_5 : vector<16xi32>
        %and3A_340 = arith.constant 1 : i32
        %and3A_341 = vector.broadcast %and3A_340 : i32 to vector<16xi32>
        %and3A_342 = arith.andi %shift_right_arithmetic3A_339, %and3A_341 : vector<16xi32>
        %convert_element_type3A_343 = arith.sitofp %and3A_342 : vector<16xi32> to vector<16xf32>
        %mul3A_344 = arith.mulf %get3A_329, %convert_element_type3A_343 : vector<16xf32>
        %cumsum3A_345 = arith.constant true
        %cumsum3A_346 = vector.broadcast %cumsum3A_345 : i1 to vector<16xi1>
        %cumsum3A_347 = tpu.scan <sum>, %mul3A_344 masked %cumsum3A_346 : vector<16xf32>, vector<16xi1> -> vector<16xf32>
        %add3A_348 = arith.addf %cumsum3A_347, %scan3A_32 : vector<16xf32>
        %swap3A_349 = arith.constant 2 : i32
        %swap3A_350 = arith.index_cast %swap3A_349 : i32 to index
        %swap3A_351 = arith.index_cast %add3A_325 : i32 to index
        %swap3A_352 = tpu.vector_load %arg7[%swap3A_350, %swap3A_351] {strides = array<i32>} : memref<8x4096xf32, #tpu.memory_space<vmem>>, vector<16xf32>,
        tpu.vector_store %arg7[%swap3A_350, %swap3A_351], %add3A_348 {strides = array<i32>} : memref<8x4096xf32, #tpu.memory_space<vmem>>, vector<16xf32>,
        %broadcast_in_dim3A_353 = vector.shape_cast %broadcast_in_dim3A_6 : vector<16xi32> to vector<16x1xi32>
        %gather3A_354 = vector.shape_cast %broadcast_in_dim3A_353 : vector<16x1xi32> to vector<16xi32>
        %gather3A_355 = tpu.dynamic_gather %add3A_348[%gather3A_354] in [0] : vector<16xf32>, vector<16xi32> -> vector<16xf32>
        %mul3A_356 = arith.constant 64 : i32
        %mul3A_357 = arith.muli %scan3A_29, %mul3A_356 : i32
        %add3A_358 = arith.constant 16 : i32
        %add3A_359 = arith.addi %mul3A_357, %add3A_358 : i32
        %get3A_360 = arith.constant 2 : i32
        %get3A_361 = arith.index_cast %get3A_360 : i32 to index
        %get3A_362 = arith.index_cast %add3A_359 : i32 to index
        %get3A_363 = tpu.vector_load %arg5[%get3A_361, %get3A_362] {strides = array<i32>} : memref<8x4096xf32, #tpu.memory_space<vmem>>, vector<16xf32>,
        %shift_right_arithmetic3A_364 = arith.constant 2 : i32
        %shift_right_arithmetic3A_365 = vector.broadcast %shift_right_arithmetic3A_364 : i32 to vector<16xi32>
        %shift_right_arithmetic3A_366 = arith.shrsi %iota3A, %shift_right_arithmetic3A_365 : vector<16xi32>
        %add3A_367 = arith.constant 4 : i32
        %add3A_368 = vector.broadcast %add3A_367 : i32 to vector<16xi32>
        %add3A_369 = arith.addi %shift_right_arithmetic3A_366, %add3A_368 : vector<16xi32>
        %broadcast_in_dim3A_370 = vector.shape_cast %add3A_369 : vector<16xi32> to vector<16x1xi32>
        %gather3A_371 = vector.shape_cast %broadcast_in_dim3A_370 : vector<16x1xi32> to vector<16xi32>
        %gather3A_372 = tpu.dynamic_gather %get3A_321[%gather3A_371] in [0] : vector<16xi32>, vector<16xi32> -> vector<16xi32>
        %shift_right_arithmetic3A_373 = arith.shrsi %gather3A_372, %mul3A_5 : vector<16xi32>
        %and3A_374 = arith.constant 1 : i32
        %and3A_375 = vector.broadcast %and3A_374 : i32 to vector<16xi32>
        %and3A_376 = arith.andi %shift_right_arithmetic3A_373, %and3A_375 : vector<16xi32>
        %convert_element_type3A_377 = arith.sitofp %and3A_376 : vector<16xi32> to vector<16xf32>
        %mul3A_378 = arith.mulf %get3A_363, %convert_element_type3A_377 : vector<16xf32>
        %cumsum3A_379 = arith.constant true
        %cumsum3A_380 = vector.broadcast %cumsum3A_379 : i1 to vector<16xi1>
        %cumsum3A_381 = tpu.scan <sum>, %mul3A_378 masked %cumsum3A_380 : vector<16xf32>, vector<16xi1> -> vector<16xf32>
        %add3A_382 = arith.addf %cumsum3A_381, %gather3A_355 : vector<16xf32>
        %swap3A_383 = arith.constant 2 : i32
        %swap3A_384 = arith.index_cast %swap3A_383 : i32 to index
        %swap3A_385 = arith.index_cast %add3A_359 : i32 to index
        %swap3A_386 = tpu.vector_load %arg7[%swap3A_384, %swap3A_385] {strides = array<i32>} : memref<8x4096xf32, #tpu.memory_space<vmem>>, vector<16xf32>,
        tpu.vector_store %arg7[%swap3A_384, %swap3A_385], %add3A_382 {strides = array<i32>} : memref<8x4096xf32, #tpu.memory_space<vmem>>, vector<16xf32>,
        %broadcast_in_dim3A_387 = vector.shape_cast %broadcast_in_dim3A_6 : vector<16xi32> to vector<16x1xi32>
        %gather3A_388 = vector.shape_cast %broadcast_in_dim3A_387 : vector<16x1xi32> to vector<16xi32>
        %gather3A_389 = tpu.dynamic_gather %add3A_382[%gather3A_388] in [0] : vector<16xf32>, vector<16xi32> -> vector<16xf32>
        %mul3A_390 = arith.constant 64 : i32
        %mul3A_391 = arith.muli %scan3A_29, %mul3A_390 : i32
        %add3A_392 = arith.constant 32 : i32
        %add3A_393 = arith.addi %mul3A_391, %add3A_392 : i32
        %get3A_394 = arith.constant 2 : i32
        %get3A_395 = arith.index_cast %get3A_394 : i32 to index
        %get3A_396 = arith.index_cast %add3A_393 : i32 to index
        %get3A_397 = tpu.vector_load %arg5[%get3A_395, %get3A_396] {strides = array<i32>} : memref<8x4096xf32, #tpu.memory_space<vmem>>, vector<16xf32>,
        %shift_right_arithmetic3A_398 = arith.constant 2 : i32
        %shift_right_arithmetic3A_399 = vector.broadcast %shift_right_arithmetic3A_398 : i32 to vector<16xi32>
        %shift_right_arithmetic3A_400 = arith.shrsi %iota3A, %shift_right_arithmetic3A_399 : vector<16xi32>
        %add3A_401 = arith.constant 8 : i32
        %add3A_402 = vector.broadcast %add3A_401 : i32 to vector<16xi32>
        %add3A_403 = arith.addi %shift_right_arithmetic3A_400, %add3A_402 : vector<16xi32>
        %broadcast_in_dim3A_404 = vector.shape_cast %add3A_403 : vector<16xi32> to vector<16x1xi32>
        %gather3A_405 = vector.shape_cast %broadcast_in_dim3A_404 : vector<16x1xi32> to vector<16xi32>
        %gather3A_406 = tpu.dynamic_gather %get3A_321[%gather3A_405] in [0] : vector<16xi32>, vector<16xi32> -> vector<16xi32>
        %shift_right_arithmetic3A_407 = arith.shrsi %gather3A_406, %mul3A_5 : vector<16xi32>
        %and3A_408 = arith.constant 1 : i32
        %and3A_409 = vector.broadcast %and3A_408 : i32 to vector<16xi32>
        %and3A_410 = arith.andi %shift_right_arithmetic3A_407, %and3A_409 : vector<16xi32>
        %convert_element_type3A_411 = arith.sitofp %and3A_410 : vector<16xi32> to vector<16xf32>
        %mul3A_412 = arith.mulf %get3A_397, %convert_element_type3A_411 : vector<16xf32>
        %cumsum3A_413 = arith.constant true
        %cumsum3A_414 = vector.broadcast %cumsum3A_413 : i1 to vector<16xi1>
        %cumsum3A_415 = tpu.scan <sum>, %mul3A_412 masked %cumsum3A_414 : vector<16xf32>, vector<16xi1> -> vector<16xf32>
        %add3A_416 = arith.addf %cumsum3A_415, %gather3A_389 : vector<16xf32>
        %swap3A_417 = arith.constant 2 : i32
        %swap3A_418 = arith.index_cast %swap3A_417 : i32 to index
        %swap3A_419 = arith.index_cast %add3A_393 : i32 to index
        %swap3A_420 = tpu.vector_load %arg7[%swap3A_418, %swap3A_419] {strides = array<i32>} : memref<8x4096xf32, #tpu.memory_space<vmem>>, vector<16xf32>,
        tpu.vector_store %arg7[%swap3A_418, %swap3A_419], %add3A_416 {strides = array<i32>} : memref<8x4096xf32, #tpu.memory_space<vmem>>, vector<16xf32>,
        %broadcast_in_dim3A_421 = vector.shape_cast %broadcast_in_dim3A_6 : vector<16xi32> to vector<16x1xi32>
        %gather3A_422 = vector.shape_cast %broadcast_in_dim3A_421 : vector<16x1xi32> to vector<16xi32>
        %gather3A_423 = tpu.dynamic_gather %add3A_416[%gather3A_422] in [0] : vector<16xf32>, vector<16xi32> -> vector<16xf32>
        %mul3A_424 = arith.constant 64 : i32
        %mul3A_425 = arith.muli %scan3A_29, %mul3A_424 : i32
        %add3A_426 = arith.constant 48 : i32
        %add3A_427 = arith.addi %mul3A_425, %add3A_426 : i32
        %get3A_428 = arith.constant 2 : i32
        %get3A_429 = arith.index_cast %get3A_428 : i32 to index
        %get3A_430 = arith.index_cast %add3A_427 : i32 to index
        %get3A_431 = tpu.vector_load %arg5[%get3A_429, %get3A_430] {strides = array<i32>} : memref<8x4096xf32, #tpu.memory_space<vmem>>, vector<16xf32>,
        %shift_right_arithmetic3A_432 = arith.constant 2 : i32
        %shift_right_arithmetic3A_433 = vector.broadcast %shift_right_arithmetic3A_432 : i32 to vector<16xi32>
        %shift_right_arithmetic3A_434 = arith.shrsi %iota3A, %shift_right_arithmetic3A_433 : vector<16xi32>
        %add3A_435 = arith.constant 12 : i32
        %add3A_436 = vector.broadcast %add3A_435 : i32 to vector<16xi32>
        %add3A_437 = arith.addi %shift_right_arithmetic3A_434, %add3A_436 : vector<16xi32>
        %broadcast_in_dim3A_438 = vector.shape_cast %add3A_437 : vector<16xi32> to vector<16x1xi32>
        %gather3A_439 = vector.shape_cast %broadcast_in_dim3A_438 : vector<16x1xi32> to vector<16xi32>
        %gather3A_440 = tpu.dynamic_gather %get3A_321[%gather3A_439] in [0] : vector<16xi32>, vector<16xi32> -> vector<16xi32>
        %shift_right_arithmetic3A_441 = arith.shrsi %gather3A_440, %mul3A_5 : vector<16xi32>
        %and3A_442 = arith.constant 1 : i32
        %and3A_443 = vector.broadcast %and3A_442 : i32 to vector<16xi32>
        %and3A_444 = arith.andi %shift_right_arithmetic3A_441, %and3A_443 : vector<16xi32>
        %convert_element_type3A_445 = arith.sitofp %and3A_444 : vector<16xi32> to vector<16xf32>
        %mul3A_446 = arith.mulf %get3A_431, %convert_element_type3A_445 : vector<16xf32>
        %cumsum3A_447 = arith.constant true
        %cumsum3A_448 = vector.broadcast %cumsum3A_447 : i1 to vector<16xi1>
        %cumsum3A_449 = tpu.scan <sum>, %mul3A_446 masked %cumsum3A_448 : vector<16xf32>, vector<16xi1> -> vector<16xf32>
        %add3A_450 = arith.addf %cumsum3A_449, %gather3A_423 : vector<16xf32>
        %swap3A_451 = arith.constant 2 : i32
        %swap3A_452 = arith.index_cast %swap3A_451 : i32 to index
        %swap3A_453 = arith.index_cast %add3A_427 : i32 to index
        %swap3A_454 = tpu.vector_load %arg7[%swap3A_452, %swap3A_453] {strides = array<i32>} : memref<8x4096xf32, #tpu.memory_space<vmem>>, vector<16xf32>,
        tpu.vector_store %arg7[%swap3A_452, %swap3A_453], %add3A_450 {strides = array<i32>} : memref<8x4096xf32, #tpu.memory_space<vmem>>, vector<16xf32>,
        %broadcast_in_dim3A_455 = vector.shape_cast %broadcast_in_dim3A_6 : vector<16xi32> to vector<16x1xi32>
        %gather3A_456 = vector.shape_cast %broadcast_in_dim3A_455 : vector<16x1xi32> to vector<16xi32>
        %gather3A_457 = tpu.dynamic_gather %add3A_450[%gather3A_456] in [0] : vector<16xf32>, vector<16xi32> -> vector<16xf32>
        %mul3A_458 = arith.constant 16 : i32
        %mul3A_459 = arith.muli %scan3A_29, %mul3A_458 : i32
        %get3A_460 = arith.constant 3 : i32
        %get3A_461 = arith.index_cast %get3A_460 : i32 to index
        %get3A_462 = arith.index_cast %mul3A_459 : i32 to index
        %get3A_463 = tpu.vector_load %arg6[%get3A_461, %get3A_462] {strides = array<i32>} : memref<8x1024xi32, #tpu.memory_space<vmem>>, vector<16xi32>,
        %mul3A_464 = arith.constant 64 : i32
        %mul3A_465 = arith.muli %scan3A_29, %mul3A_464 : i32
        %add3A_466 = arith.constant 0 : i32
        %add3A_467 = arith.addi %mul3A_465, %add3A_466 : i32
        %get3A_468 = arith.constant 3 : i32
        %get3A_469 = arith.index_cast %get3A_468 : i32 to index
        %get3A_470 = arith.index_cast %add3A_467 : i32 to index
        %get3A_471 = tpu.vector_load %arg5[%get3A_469, %get3A_470] {strides = array<i32>} : memref<8x4096xf32, #tpu.memory_space<vmem>>, vector<16xf32>,
        %shift_right_arithmetic3A_472 = arith.constant 2 : i32
        %shift_right_arithmetic3A_473 = vector.broadcast %shift_right_arithmetic3A_472 : i32 to vector<16xi32>
        %shift_right_arithmetic3A_474 = arith.shrsi %iota3A, %shift_right_arithmetic3A_473 : vector<16xi32>
        %add3A_475 = arith.constant 0 : i32
        %add3A_476 = vector.broadcast %add3A_475 : i32 to vector<16xi32>
        %add3A_477 = arith.addi %shift_right_arithmetic3A_474, %add3A_476 : vector<16xi32>
        %broadcast_in_dim3A_478 = vector.shape_cast %add3A_477 : vector<16xi32> to vector<16x1xi32>
        %gather3A_479 = vector.shape_cast %broadcast_in_dim3A_478 : vector<16x1xi32> to vector<16xi32>
        %gather3A_480 = tpu.dynamic_gather %get3A_463[%gather3A_479] in [0] : vector<16xi32>, vector<16xi32> -> vector<16xi32>
        %shift_right_arithmetic3A_481 = arith.shrsi %gather3A_480, %mul3A_5 : vector<16xi32>
        %and3A_482 = arith.constant 1 : i32
        %and3A_483 = vector.broadcast %and3A_482 : i32 to vector<16xi32>
        %and3A_484 = arith.andi %shift_right_arithmetic3A_481, %and3A_483 : vector<16xi32>
        %convert_element_type3A_485 = arith.sitofp %and3A_484 : vector<16xi32> to vector<16xf32>
        %mul3A_486 = arith.mulf %get3A_471, %convert_element_type3A_485 : vector<16xf32>
        %cumsum3A_487 = arith.constant true
        %cumsum3A_488 = vector.broadcast %cumsum3A_487 : i1 to vector<16xi1>
        %cumsum3A_489 = tpu.scan <sum>, %mul3A_486 masked %cumsum3A_488 : vector<16xf32>, vector<16xi1> -> vector<16xf32>
        %add3A_490 = arith.addf %cumsum3A_489, %scan3A_33 : vector<16xf32>
        %swap3A_491 = arith.constant 3 : i32
        %swap3A_492 = arith.index_cast %swap3A_491 : i32 to index
        %swap3A_493 = arith.index_cast %add3A_467 : i32 to index
        %swap3A_494 = tpu.vector_load %arg7[%swap3A_492, %swap3A_493] {strides = array<i32>} : memref<8x4096xf32, #tpu.memory_space<vmem>>, vector<16xf32>,
        tpu.vector_store %arg7[%swap3A_492, %swap3A_493], %add3A_490 {strides = array<i32>} : memref<8x4096xf32, #tpu.memory_space<vmem>>, vector<16xf32>,
        %broadcast_in_dim3A_495 = vector.shape_cast %broadcast_in_dim3A_6 : vector<16xi32> to vector<16x1xi32>
        %gather3A_496 = vector.shape_cast %broadcast_in_dim3A_495 : vector<16x1xi32> to vector<16xi32>
        %gather3A_497 = tpu.dynamic_gather %add3A_490[%gather3A_496] in [0] : vector<16xf32>, vector<16xi32> -> vector<16xf32>
        %mul3A_498 = arith.constant 64 : i32
        %mul3A_499 = arith.muli %scan3A_29, %mul3A_498 : i32
        %add3A_500 = arith.constant 16 : i32
        %add3A_501 = arith.addi %mul3A_499, %add3A_500 : i32
        %get3A_502 = arith.constant 3 : i32
        %get3A_503 = arith.index_cast %get3A_502 : i32 to index
        %get3A_504 = arith.index_cast %add3A_501 : i32 to index
        %get3A_505 = tpu.vector_load %arg5[%get3A_503, %get3A_504] {strides = array<i32>} : memref<8x4096xf32, #tpu.memory_space<vmem>>, vector<16xf32>,
        %shift_right_arithmetic3A_506 = arith.constant 2 : i32
        %shift_right_arithmetic3A_507 = vector.broadcast %shift_right_arithmetic3A_506 : i32 to vector<16xi32>
        %shift_right_arithmetic3A_508 = arith.shrsi %iota3A, %shift_right_arithmetic3A_507 : vector<16xi32>
        %add3A_509 = arith.constant 4 : i32
        %add3A_510 = vector.broadcast %add3A_509 : i32 to vector<16xi32>
        %add3A_511 = arith.addi %shift_right_arithmetic3A_508, %add3A_510 : vector<16xi32>
        %broadcast_in_dim3A_512 = vector.shape_cast %add3A_511 : vector<16xi32> to vector<16x1xi32>
        %gather3A_513 = vector.shape_cast %broadcast_in_dim3A_512 : vector<16x1xi32> to vector<16xi32>
        %gather3A_514 = tpu.dynamic_gather %get3A_463[%gather3A_513] in [0] : vector<16xi32>, vector<16xi32> -> vector<16xi32>
        %shift_right_arithmetic3A_515 = arith.shrsi %gather3A_514, %mul3A_5 : vector<16xi32>
        %and3A_516 = arith.constant 1 : i32
        %and3A_517 = vector.broadcast %and3A_516 : i32 to vector<16xi32>
        %and3A_518 = arith.andi %shift_right_arithmetic3A_515, %and3A_517 : vector<16xi32>
        %convert_element_type3A_519 = arith.sitofp %and3A_518 : vector<16xi32> to vector<16xf32>
        %mul3A_520 = arith.mulf %get3A_505, %convert_element_type3A_519 : vector<16xf32>
        %cumsum3A_521 = arith.constant true
        %cumsum3A_522 = vector.broadcast %cumsum3A_521 : i1 to vector<16xi1>
        %cumsum3A_523 = tpu.scan <sum>, %mul3A_520 masked %cumsum3A_522 : vector<16xf32>, vector<16xi1> -> vector<16xf32>
        %add3A_524 = arith.addf %cumsum3A_523, %gather3A_497 : vector<16xf32>
        %swap3A_525 = arith.constant 3 : i32
        %swap3A_526 = arith.index_cast %swap3A_525 : i32 to index
        %swap3A_527 = arith.index_cast %add3A_501 : i32 to index
        %swap3A_528 = tpu.vector_load %arg7[%swap3A_526, %swap3A_527] {strides = array<i32>} : memref<8x4096xf32, #tpu.memory_space<vmem>>, vector<16xf32>,
        tpu.vector_store %arg7[%swap3A_526, %swap3A_527], %add3A_524 {strides = array<i32>} : memref<8x4096xf32, #tpu.memory_space<vmem>>, vector<16xf32>,
        %broadcast_in_dim3A_529 = vector.shape_cast %broadcast_in_dim3A_6 : vector<16xi32> to vector<16x1xi32>
        %gather3A_530 = vector.shape_cast %broadcast_in_dim3A_529 : vector<16x1xi32> to vector<16xi32>
        %gather3A_531 = tpu.dynamic_gather %add3A_524[%gather3A_530] in [0] : vector<16xf32>, vector<16xi32> -> vector<16xf32>
        %mul3A_532 = arith.constant 64 : i32
        %mul3A_533 = arith.muli %scan3A_29, %mul3A_532 : i32
        %add3A_534 = arith.constant 32 : i32
        %add3A_535 = arith.addi %mul3A_533, %add3A_534 : i32
        %get3A_536 = arith.constant 3 : i32
        %get3A_537 = arith.index_cast %get3A_536 : i32 to index
        %get3A_538 = arith.index_cast %add3A_535 : i32 to index
        %get3A_539 = tpu.vector_load %arg5[%get3A_537, %get3A_538] {strides = array<i32>} : memref<8x4096xf32, #tpu.memory_space<vmem>>, vector<16xf32>,
        %shift_right_arithmetic3A_540 = arith.constant 2 : i32
        %shift_right_arithmetic3A_541 = vector.broadcast %shift_right_arithmetic3A_540 : i32 to vector<16xi32>
        %shift_right_arithmetic3A_542 = arith.shrsi %iota3A, %shift_right_arithmetic3A_541 : vector<16xi32>
        %add3A_543 = arith.constant 8 : i32
        %add3A_544 = vector.broadcast %add3A_543 : i32 to vector<16xi32>
        %add3A_545 = arith.addi %shift_right_arithmetic3A_542, %add3A_544 : vector<16xi32>
        %broadcast_in_dim3A_546 = vector.shape_cast %add3A_545 : vector<16xi32> to vector<16x1xi32>
        %gather3A_547 = vector.shape_cast %broadcast_in_dim3A_546 : vector<16x1xi32> to vector<16xi32>
        %gather3A_548 = tpu.dynamic_gather %get3A_463[%gather3A_547] in [0] : vector<16xi32>, vector<16xi32> -> vector<16xi32>
        %shift_right_arithmetic3A_549 = arith.shrsi %gather3A_548, %mul3A_5 : vector<16xi32>
        %and3A_550 = arith.constant 1 : i32
        %and3A_551 = vector.broadcast %and3A_550 : i32 to vector<16xi32>
        %and3A_552 = arith.andi %shift_right_arithmetic3A_549, %and3A_551 : vector<16xi32>
        %convert_element_type3A_553 = arith.sitofp %and3A_552 : vector<16xi32> to vector<16xf32>
        %mul3A_554 = arith.mulf %get3A_539, %convert_element_type3A_553 : vector<16xf32>
        %cumsum3A_555 = arith.constant true
        %cumsum3A_556 = vector.broadcast %cumsum3A_555 : i1 to vector<16xi1>
        %cumsum3A_557 = tpu.scan <sum>, %mul3A_554 masked %cumsum3A_556 : vector<16xf32>, vector<16xi1> -> vector<16xf32>
        %add3A_558 = arith.addf %cumsum3A_557, %gather3A_531 : vector<16xf32>
        %swap3A_559 = arith.constant 3 : i32
        %swap3A_560 = arith.index_cast %swap3A_559 : i32 to index
        %swap3A_561 = arith.index_cast %add3A_535 : i32 to index
        %swap3A_562 = tpu.vector_load %arg7[%swap3A_560, %swap3A_561] {strides = array<i32>} : memref<8x4096xf32, #tpu.memory_space<vmem>>, vector<16xf32>,
        tpu.vector_store %arg7[%swap3A_560, %swap3A_561], %add3A_558 {strides = array<i32>} : memref<8x4096xf32, #tpu.memory_space<vmem>>, vector<16xf32>,
        %broadcast_in_dim3A_563 = vector.shape_cast %broadcast_in_dim3A_6 : vector<16xi32> to vector<16x1xi32>
        %gather3A_564 = vector.shape_cast %broadcast_in_dim3A_563 : vector<16x1xi32> to vector<16xi32>
        %gather3A_565 = tpu.dynamic_gather %add3A_558[%gather3A_564] in [0] : vector<16xf32>, vector<16xi32> -> vector<16xf32>
        %mul3A_566 = arith.constant 64 : i32
        %mul3A_567 = arith.muli %scan3A_29, %mul3A_566 : i32
        %add3A_568 = arith.constant 48 : i32
        %add3A_569 = arith.addi %mul3A_567, %add3A_568 : i32
        %get3A_570 = arith.constant 3 : i32
        %get3A_571 = arith.index_cast %get3A_570 : i32 to index
        %get3A_572 = arith.index_cast %add3A_569 : i32 to index
        %get3A_573 = tpu.vector_load %arg5[%get3A_571, %get3A_572] {strides = array<i32>} : memref<8x4096xf32, #tpu.memory_space<vmem>>, vector<16xf32>,
        %shift_right_arithmetic3A_574 = arith.constant 2 : i32
        %shift_right_arithmetic3A_575 = vector.broadcast %shift_right_arithmetic3A_574 : i32 to vector<16xi32>
        %shift_right_arithmetic3A_576 = arith.shrsi %iota3A, %shift_right_arithmetic3A_575 : vector<16xi32>
        %add3A_577 = arith.constant 12 : i32
        %add3A_578 = vector.broadcast %add3A_577 : i32 to vector<16xi32>
        %add3A_579 = arith.addi %shift_right_arithmetic3A_576, %add3A_578 : vector<16xi32>
        %broadcast_in_dim3A_580 = vector.shape_cast %add3A_579 : vector<16xi32> to vector<16x1xi32>
        %gather3A_581 = vector.shape_cast %broadcast_in_dim3A_580 : vector<16x1xi32> to vector<16xi32>
        %gather3A_582 = tpu.dynamic_gather %get3A_463[%gather3A_581] in [0] : vector<16xi32>, vector<16xi32> -> vector<16xi32>
        %shift_right_arithmetic3A_583 = arith.shrsi %gather3A_582, %mul3A_5 : vector<16xi32>
        %and3A_584 = arith.constant 1 : i32
        %and3A_585 = vector.broadcast %and3A_584 : i32 to vector<16xi32>
        %and3A_586 = arith.andi %shift_right_arithmetic3A_583, %and3A_585 : vector<16xi32>
        %convert_element_type3A_587 = arith.sitofp %and3A_586 : vector<16xi32> to vector<16xf32>
        %mul3A_588 = arith.mulf %get3A_573, %convert_element_type3A_587 : vector<16xf32>
        %cumsum3A_589 = arith.constant true
        %cumsum3A_590 = vector.broadcast %cumsum3A_589 : i1 to vector<16xi1>
        %cumsum3A_591 = tpu.scan <sum>, %mul3A_588 masked %cumsum3A_590 : vector<16xf32>, vector<16xi1> -> vector<16xf32>
        %add3A_592 = arith.addf %cumsum3A_591, %gather3A_565 : vector<16xf32>
        %swap3A_593 = arith.constant 3 : i32
        %swap3A_594 = arith.index_cast %swap3A_593 : i32 to index
        %swap3A_595 = arith.index_cast %add3A_569 : i32 to index
        %swap3A_596 = tpu.vector_load %arg7[%swap3A_594, %swap3A_595] {strides = array<i32>} : memref<8x4096xf32, #tpu.memory_space<vmem>>, vector<16xf32>,
        tpu.vector_store %arg7[%swap3A_594, %swap3A_595], %add3A_592 {strides = array<i32>} : memref<8x4096xf32, #tpu.memory_space<vmem>>, vector<16xf32>,
        %broadcast_in_dim3A_597 = vector.shape_cast %broadcast_in_dim3A_6 : vector<16xi32> to vector<16x1xi32>
        %gather3A_598 = vector.shape_cast %broadcast_in_dim3A_597 : vector<16x1xi32> to vector<16xi32>
        %gather3A_599 = tpu.dynamic_gather %add3A_592[%gather3A_598] in [0] : vector<16xf32>, vector<16xi32> -> vector<16xf32>
        %mul3A_600 = arith.constant 16 : i32
        %mul3A_601 = arith.muli %scan3A_29, %mul3A_600 : i32
        %get3A_602 = arith.constant 4 : i32
        %get3A_603 = arith.index_cast %get3A_602 : i32 to index
        %get3A_604 = arith.index_cast %mul3A_601 : i32 to index
        %get3A_605 = tpu.vector_load %arg6[%get3A_603, %get3A_604] {strides = array<i32>} : memref<8x1024xi32, #tpu.memory_space<vmem>>, vector<16xi32>,
        %mul3A_606 = arith.constant 64 : i32
        %mul3A_607 = arith.muli %scan3A_29, %mul3A_606 : i32
        %add3A_608 = arith.constant 0 : i32
        %add3A_609 = arith.addi %mul3A_607, %add3A_608 : i32
        %get3A_610 = arith.constant 4 : i32
        %get3A_611 = arith.index_cast %get3A_610 : i32 to index
        %get3A_612 = arith.index_cast %add3A_609 : i32 to index
        %get3A_613 = tpu.vector_load %arg5[%get3A_611, %get3A_612] {strides = array<i32>} : memref<8x4096xf32, #tpu.memory_space<vmem>>, vector<16xf32>,
        %shift_right_arithmetic3A_614 = arith.constant 2 : i32
        %shift_right_arithmetic3A_615 = vector.broadcast %shift_right_arithmetic3A_614 : i32 to vector<16xi32>
        %shift_right_arithmetic3A_616 = arith.shrsi %iota3A, %shift_right_arithmetic3A_615 : vector<16xi32>
        %add3A_617 = arith.constant 0 : i32
        %add3A_618 = vector.broadcast %add3A_617 : i32 to vector<16xi32>
        %add3A_619 = arith.addi %shift_right_arithmetic3A_616, %add3A_618 : vector<16xi32>
        %broadcast_in_dim3A_620 = vector.shape_cast %add3A_619 : vector<16xi32> to vector<16x1xi32>
        %gather3A_621 = vector.shape_cast %broadcast_in_dim3A_620 : vector<16x1xi32> to vector<16xi32>
        %gather3A_622 = tpu.dynamic_gather %get3A_605[%gather3A_621] in [0] : vector<16xi32>, vector<16xi32> -> vector<16xi32>
        %shift_right_arithmetic3A_623 = arith.shrsi %gather3A_622, %mul3A_5 : vector<16xi32>
        %and3A_624 = arith.constant 1 : i32
        %and3A_625 = vector.broadcast %and3A_624 : i32 to vector<16xi32>
        %and3A_626 = arith.andi %shift_right_arithmetic3A_623, %and3A_625 : vector<16xi32>
        %convert_element_type3A_627 = arith.sitofp %and3A_626 : vector<16xi32> to vector<16xf32>
        %mul3A_628 = arith.mulf %get3A_613, %convert_element_type3A_627 : vector<16xf32>
        %cumsum3A_629 = arith.constant true
        %cumsum3A_630 = vector.broadcast %cumsum3A_629 : i1 to vector<16xi1>
        %cumsum3A_631 = tpu.scan <sum>, %mul3A_628 masked %cumsum3A_630 : vector<16xf32>, vector<16xi1> -> vector<16xf32>
        %add3A_632 = arith.addf %cumsum3A_631, %scan3A_34 : vector<16xf32>
        %swap3A_633 = arith.constant 4 : i32
        %swap3A_634 = arith.index_cast %swap3A_633 : i32 to index
        %swap3A_635 = arith.index_cast %add3A_609 : i32 to index
        %swap3A_636 = tpu.vector_load %arg7[%swap3A_634, %swap3A_635] {strides = array<i32>} : memref<8x4096xf32, #tpu.memory_space<vmem>>, vector<16xf32>,
        tpu.vector_store %arg7[%swap3A_634, %swap3A_635], %add3A_632 {strides = array<i32>} : memref<8x4096xf32, #tpu.memory_space<vmem>>, vector<16xf32>,
        %broadcast_in_dim3A_637 = vector.shape_cast %broadcast_in_dim3A_6 : vector<16xi32> to vector<16x1xi32>
        %gather3A_638 = vector.shape_cast %broadcast_in_dim3A_637 : vector<16x1xi32> to vector<16xi32>
        %gather3A_639 = tpu.dynamic_gather %add3A_632[%gather3A_638] in [0] : vector<16xf32>, vector<16xi32> -> vector<16xf32>
        %mul3A_640 = arith.constant 64 : i32
        %mul3A_641 = arith.muli %scan3A_29, %mul3A_640 : i32
        %add3A_642 = arith.constant 16 : i32
        %add3A_643 = arith.addi %mul3A_641, %add3A_642 : i32
        %get3A_644 = arith.constant 4 : i32
        %get3A_645 = arith.index_cast %get3A_644 : i32 to index
        %get3A_646 = arith.index_cast %add3A_643 : i32 to index
        %get3A_647 = tpu.vector_load %arg5[%get3A_645, %get3A_646] {strides = array<i32>} : memref<8x4096xf32, #tpu.memory_space<vmem>>, vector<16xf32>,
        %shift_right_arithmetic3A_648 = arith.constant 2 : i32
        %shift_right_arithmetic3A_649 = vector.broadcast %shift_right_arithmetic3A_648 : i32 to vector<16xi32>
        %shift_right_arithmetic3A_650 = arith.shrsi %iota3A, %shift_right_arithmetic3A_649 : vector<16xi32>
        %add3A_651 = arith.constant 4 : i32
        %add3A_652 = vector.broadcast %add3A_651 : i32 to vector<16xi32>
        %add3A_653 = arith.addi %shift_right_arithmetic3A_650, %add3A_652 : vector<16xi32>
        %broadcast_in_dim3A_654 = vector.shape_cast %add3A_653 : vector<16xi32> to vector<16x1xi32>
        %gather3A_655 = vector.shape_cast %broadcast_in_dim3A_654 : vector<16x1xi32> to vector<16xi32>
        %gather3A_656 = tpu.dynamic_gather %get3A_605[%gather3A_655] in [0] : vector<16xi32>, vector<16xi32> -> vector<16xi32>
        %shift_right_arithmetic3A_657 = arith.shrsi %gather3A_656, %mul3A_5 : vector<16xi32>
        %and3A_658 = arith.constant 1 : i32
        %and3A_659 = vector.broadcast %and3A_658 : i32 to vector<16xi32>
        %and3A_660 = arith.andi %shift_right_arithmetic3A_657, %and3A_659 : vector<16xi32>
        %convert_element_type3A_661 = arith.sitofp %and3A_660 : vector<16xi32> to vector<16xf32>
        %mul3A_662 = arith.mulf %get3A_647, %convert_element_type3A_661 : vector<16xf32>
        %cumsum3A_663 = arith.constant true
        %cumsum3A_664 = vector.broadcast %cumsum3A_663 : i1 to vector<16xi1>
        %cumsum3A_665 = tpu.scan <sum>, %mul3A_662 masked %cumsum3A_664 : vector<16xf32>, vector<16xi1> -> vector<16xf32>
        %add3A_666 = arith.addf %cumsum3A_665, %gather3A_639 : vector<16xf32>
        %swap3A_667 = arith.constant 4 : i32
        %swap3A_668 = arith.index_cast %swap3A_667 : i32 to index
        %swap3A_669 = arith.index_cast %add3A_643 : i32 to index
        %swap3A_670 = tpu.vector_load %arg7[%swap3A_668, %swap3A_669] {strides = array<i32>} : memref<8x4096xf32, #tpu.memory_space<vmem>>, vector<16xf32>,
        tpu.vector_store %arg7[%swap3A_668, %swap3A_669], %add3A_666 {strides = array<i32>} : memref<8x4096xf32, #tpu.memory_space<vmem>>, vector<16xf32>,
        %broadcast_in_dim3A_671 = vector.shape_cast %broadcast_in_dim3A_6 : vector<16xi32> to vector<16x1xi32>
        %gather3A_672 = vector.shape_cast %broadcast_in_dim3A_671 : vector<16x1xi32> to vector<16xi32>
        %gather3A_673 = tpu.dynamic_gather %add3A_666[%gather3A_672] in [0] : vector<16xf32>, vector<16xi32> -> vector<16xf32>
        %mul3A_674 = arith.constant 64 : i32
        %mul3A_675 = arith.muli %scan3A_29, %mul3A_674 : i32
        %add3A_676 = arith.constant 32 : i32
        %add3A_677 = arith.addi %mul3A_675, %add3A_676 : i32
        %get3A_678 = arith.constant 4 : i32
        %get3A_679 = arith.index_cast %get3A_678 : i32 to index
        %get3A_680 = arith.index_cast %add3A_677 : i32 to index
        %get3A_681 = tpu.vector_load %arg5[%get3A_679, %get3A_680] {strides = array<i32>} : memref<8x4096xf32, #tpu.memory_space<vmem>>, vector<16xf32>,
        %shift_right_arithmetic3A_682 = arith.constant 2 : i32
        %shift_right_arithmetic3A_683 = vector.broadcast %shift_right_arithmetic3A_682 : i32 to vector<16xi32>
        %shift_right_arithmetic3A_684 = arith.shrsi %iota3A, %shift_right_arithmetic3A_683 : vector<16xi32>
        %add3A_685 = arith.constant 8 : i32
        %add3A_686 = vector.broadcast %add3A_685 : i32 to vector<16xi32>
        %add3A_687 = arith.addi %shift_right_arithmetic3A_684, %add3A_686 : vector<16xi32>
        %broadcast_in_dim3A_688 = vector.shape_cast %add3A_687 : vector<16xi32> to vector<16x1xi32>
        %gather3A_689 = vector.shape_cast %broadcast_in_dim3A_688 : vector<16x1xi32> to vector<16xi32>
        %gather3A_690 = tpu.dynamic_gather %get3A_605[%gather3A_689] in [0] : vector<16xi32>, vector<16xi32> -> vector<16xi32>
        %shift_right_arithmetic3A_691 = arith.shrsi %gather3A_690, %mul3A_5 : vector<16xi32>
        %and3A_692 = arith.constant 1 : i32
        %and3A_693 = vector.broadcast %and3A_692 : i32 to vector<16xi32>
        %and3A_694 = arith.andi %shift_right_arithmetic3A_691, %and3A_693 : vector<16xi32>
        %convert_element_type3A_695 = arith.sitofp %and3A_694 : vector<16xi32> to vector<16xf32>
        %mul3A_696 = arith.mulf %get3A_681, %convert_element_type3A_695 : vector<16xf32>
        %cumsum3A_697 = arith.constant true
        %cumsum3A_698 = vector.broadcast %cumsum3A_697 : i1 to vector<16xi1>
        %cumsum3A_699 = tpu.scan <sum>, %mul3A_696 masked %cumsum3A_698 : vector<16xf32>, vector<16xi1> -> vector<16xf32>
        %add3A_700 = arith.addf %cumsum3A_699, %gather3A_673 : vector<16xf32>
        %swap3A_701 = arith.constant 4 : i32
        %swap3A_702 = arith.index_cast %swap3A_701 : i32 to index
        %swap3A_703 = arith.index_cast %add3A_677 : i32 to index
        %swap3A_704 = tpu.vector_load %arg7[%swap3A_702, %swap3A_703] {strides = array<i32>} : memref<8x4096xf32, #tpu.memory_space<vmem>>, vector<16xf32>,
        tpu.vector_store %arg7[%swap3A_702, %swap3A_703], %add3A_700 {strides = array<i32>} : memref<8x4096xf32, #tpu.memory_space<vmem>>, vector<16xf32>,
        %broadcast_in_dim3A_705 = vector.shape_cast %broadcast_in_dim3A_6 : vector<16xi32> to vector<16x1xi32>
        %gather3A_706 = vector.shape_cast %broadcast_in_dim3A_705 : vector<16x1xi32> to vector<16xi32>
        %gather3A_707 = tpu.dynamic_gather %add3A_700[%gather3A_706] in [0] : vector<16xf32>, vector<16xi32> -> vector<16xf32>
        %mul3A_708 = arith.constant 64 : i32
        %mul3A_709 = arith.muli %scan3A_29, %mul3A_708 : i32
        %add3A_710 = arith.constant 48 : i32
        %add3A_711 = arith.addi %mul3A_709, %add3A_710 : i32
        %get3A_712 = arith.constant 4 : i32
        %get3A_713 = arith.index_cast %get3A_712 : i32 to index
        %get3A_714 = arith.index_cast %add3A_711 : i32 to index
        %get3A_715 = tpu.vector_load %arg5[%get3A_713, %get3A_714] {strides = array<i32>} : memref<8x4096xf32, #tpu.memory_space<vmem>>, vector<16xf32>,
        %shift_right_arithmetic3A_716 = arith.constant 2 : i32
        %shift_right_arithmetic3A_717 = vector.broadcast %shift_right_arithmetic3A_716 : i32 to vector<16xi32>
        %shift_right_arithmetic3A_718 = arith.shrsi %iota3A, %shift_right_arithmetic3A_717 : vector<16xi32>
        %add3A_719 = arith.constant 12 : i32
        %add3A_720 = vector.broadcast %add3A_719 : i32 to vector<16xi32>
        %add3A_721 = arith.addi %shift_right_arithmetic3A_718, %add3A_720 : vector<16xi32>
        %broadcast_in_dim3A_722 = vector.shape_cast %add3A_721 : vector<16xi32> to vector<16x1xi32>
        %gather3A_723 = vector.shape_cast %broadcast_in_dim3A_722 : vector<16x1xi32> to vector<16xi32>
        %gather3A_724 = tpu.dynamic_gather %get3A_605[%gather3A_723] in [0] : vector<16xi32>, vector<16xi32> -> vector<16xi32>
        %shift_right_arithmetic3A_725 = arith.shrsi %gather3A_724, %mul3A_5 : vector<16xi32>
        %and3A_726 = arith.constant 1 : i32
        %and3A_727 = vector.broadcast %and3A_726 : i32 to vector<16xi32>
        %and3A_728 = arith.andi %shift_right_arithmetic3A_725, %and3A_727 : vector<16xi32>
        %convert_element_type3A_729 = arith.sitofp %and3A_728 : vector<16xi32> to vector<16xf32>
        %mul3A_730 = arith.mulf %get3A_715, %convert_element_type3A_729 : vector<16xf32>
        %cumsum3A_731 = arith.constant true
        %cumsum3A_732 = vector.broadcast %cumsum3A_731 : i1 to vector<16xi1>
        %cumsum3A_733 = tpu.scan <sum>, %mul3A_730 masked %cumsum3A_732 : vector<16xf32>, vector<16xi1> -> vector<16xf32>
        %add3A_734 = arith.addf %cumsum3A_733, %gather3A_707 : vector<16xf32>
        %swap3A_735 = arith.constant 4 : i32
        %swap3A_736 = arith.index_cast %swap3A_735 : i32 to index
        %swap3A_737 = arith.index_cast %add3A_711 : i32 to index
        %swap3A_738 = tpu.vector_load %arg7[%swap3A_736, %swap3A_737] {strides = array<i32>} : memref<8x4096xf32, #tpu.memory_space<vmem>>, vector<16xf32>,
        tpu.vector_store %arg7[%swap3A_736, %swap3A_737], %add3A_734 {strides = array<i32>} : memref<8x4096xf32, #tpu.memory_space<vmem>>, vector<16xf32>,
        %broadcast_in_dim3A_739 = vector.shape_cast %broadcast_in_dim3A_6 : vector<16xi32> to vector<16x1xi32>
        %gather3A_740 = vector.shape_cast %broadcast_in_dim3A_739 : vector<16x1xi32> to vector<16xi32>
        %gather3A_741 = tpu.dynamic_gather %add3A_734[%gather3A_740] in [0] : vector<16xf32>, vector<16xi32> -> vector<16xf32>
        %mul3A_742 = arith.constant 16 : i32
        %mul3A_743 = arith.muli %scan3A_29, %mul3A_742 : i32
        %get3A_744 = arith.constant 5 : i32
        %get3A_745 = arith.index_cast %get3A_744 : i32 to index
        %get3A_746 = arith.index_cast %mul3A_743 : i32 to index
        %get3A_747 = tpu.vector_load %arg6[%get3A_745, %get3A_746] {strides = array<i32>} : memref<8x1024xi32, #tpu.memory_space<vmem>>, vector<16xi32>,
        %mul3A_748 = arith.constant 64 : i32
        %mul3A_749 = arith.muli %scan3A_29, %mul3A_748 : i32
        %add3A_750 = arith.constant 0 : i32
        %add3A_751 = arith.addi %mul3A_749, %add3A_750 : i32
        %get3A_752 = arith.constant 5 : i32
        %get3A_753 = arith.index_cast %get3A_752 : i32 to index
        %get3A_754 = arith.index_cast %add3A_751 : i32 to index
        %get3A_755 = tpu.vector_load %arg5[%get3A_753, %get3A_754] {strides = array<i32>} : memref<8x4096xf32, #tpu.memory_space<vmem>>, vector<16xf32>,
        %shift_right_arithmetic3A_756 = arith.constant 2 : i32
        %shift_right_arithmetic3A_757 = vector.broadcast %shift_right_arithmetic3A_756 : i32 to vector<16xi32>
        %shift_right_arithmetic3A_758 = arith.shrsi %iota3A, %shift_right_arithmetic3A_757 : vector<16xi32>
        %add3A_759 = arith.constant 0 : i32
        %add3A_760 = vector.broadcast %add3A_759 : i32 to vector<16xi32>
        %add3A_761 = arith.addi %shift_right_arithmetic3A_758, %add3A_760 : vector<16xi32>
        %broadcast_in_dim3A_762 = vector.shape_cast %add3A_761 : vector<16xi32> to vector<16x1xi32>
        %gather3A_763 = vector.shape_cast %broadcast_in_dim3A_762 : vector<16x1xi32> to vector<16xi32>
        %gather3A_764 = tpu.dynamic_gather %get3A_747[%gather3A_763] in [0] : vector<16xi32>, vector<16xi32> -> vector<16xi32>
        %shift_right_arithmetic3A_765 = arith.shrsi %gather3A_764, %mul3A_5 : vector<16xi32>
        %and3A_766 = arith.constant 1 : i32
        %and3A_767 = vector.broadcast %and3A_766 : i32 to vector<16xi32>
        %and3A_768 = arith.andi %shift_right_arithmetic3A_765, %and3A_767 : vector<16xi32>
        %convert_element_type3A_769 = arith.sitofp %and3A_768 : vector<16xi32> to vector<16xf32>
        %mul3A_770 = arith.mulf %get3A_755, %convert_element_type3A_769 : vector<16xf32>
        %cumsum3A_771 = arith.constant true
        %cumsum3A_772 = vector.broadcast %cumsum3A_771 : i1 to vector<16xi1>
        %cumsum3A_773 = tpu.scan <sum>, %mul3A_770 masked %cumsum3A_772 : vector<16xf32>, vector<16xi1> -> vector<16xf32>
        %add3A_774 = arith.addf %cumsum3A_773, %scan3A_35 : vector<16xf32>
        %swap3A_775 = arith.constant 5 : i32
        %swap3A_776 = arith.index_cast %swap3A_775 : i32 to index
        %swap3A_777 = arith.index_cast %add3A_751 : i32 to index
        %swap3A_778 = tpu.vector_load %arg7[%swap3A_776, %swap3A_777] {strides = array<i32>} : memref<8x4096xf32, #tpu.memory_space<vmem>>, vector<16xf32>,
        tpu.vector_store %arg7[%swap3A_776, %swap3A_777], %add3A_774 {strides = array<i32>} : memref<8x4096xf32, #tpu.memory_space<vmem>>, vector<16xf32>,
        %broadcast_in_dim3A_779 = vector.shape_cast %broadcast_in_dim3A_6 : vector<16xi32> to vector<16x1xi32>
        %gather3A_780 = vector.shape_cast %broadcast_in_dim3A_779 : vector<16x1xi32> to vector<16xi32>
        %gather3A_781 = tpu.dynamic_gather %add3A_774[%gather3A_780] in [0] : vector<16xf32>, vector<16xi32> -> vector<16xf32>
        %mul3A_782 = arith.constant 64 : i32
        %mul3A_783 = arith.muli %scan3A_29, %mul3A_782 : i32
        %add3A_784 = arith.constant 16 : i32
        %add3A_785 = arith.addi %mul3A_783, %add3A_784 : i32
        %get3A_786 = arith.constant 5 : i32
        %get3A_787 = arith.index_cast %get3A_786 : i32 to index
        %get3A_788 = arith.index_cast %add3A_785 : i32 to index
        %get3A_789 = tpu.vector_load %arg5[%get3A_787, %get3A_788] {strides = array<i32>} : memref<8x4096xf32, #tpu.memory_space<vmem>>, vector<16xf32>,
        %shift_right_arithmetic3A_790 = arith.constant 2 : i32
        %shift_right_arithmetic3A_791 = vector.broadcast %shift_right_arithmetic3A_790 : i32 to vector<16xi32>
        %shift_right_arithmetic3A_792 = arith.shrsi %iota3A, %shift_right_arithmetic3A_791 : vector<16xi32>
        %add3A_793 = arith.constant 4 : i32
        %add3A_794 = vector.broadcast %add3A_793 : i32 to vector<16xi32>
        %add3A_795 = arith.addi %shift_right_arithmetic3A_792, %add3A_794 : vector<16xi32>
        %broadcast_in_dim3A_796 = vector.shape_cast %add3A_795 : vector<16xi32> to vector<16x1xi32>
        %gather3A_797 = vector.shape_cast %broadcast_in_dim3A_796 : vector<16x1xi32> to vector<16xi32>
        %gather3A_798 = tpu.dynamic_gather %get3A_747[%gather3A_797] in [0] : vector<16xi32>, vector<16xi32> -> vector<16xi32>
        %shift_right_arithmetic3A_799 = arith.shrsi %gather3A_798, %mul3A_5 : vector<16xi32>
        %and3A_800 = arith.constant 1 : i32
        %and3A_801 = vector.broadcast %and3A_800 : i32 to vector<16xi32>
        %and3A_802 = arith.andi %shift_right_arithmetic3A_799, %and3A_801 : vector<16xi32>
        %convert_element_type3A_803 = arith.sitofp %and3A_802 : vector<16xi32> to vector<16xf32>
        %mul3A_804 = arith.mulf %get3A_789, %convert_element_type3A_803 : vector<16xf32>
        %cumsum3A_805 = arith.constant true
        %cumsum3A_806 = vector.broadcast %cumsum3A_805 : i1 to vector<16xi1>
        %cumsum3A_807 = tpu.scan <sum>, %mul3A_804 masked %cumsum3A_806 : vector<16xf32>, vector<16xi1> -> vector<16xf32>
        %add3A_808 = arith.addf %cumsum3A_807, %gather3A_781 : vector<16xf32>
        %swap3A_809 = arith.constant 5 : i32
        %swap3A_810 = arith.index_cast %swap3A_809 : i32 to index
        %swap3A_811 = arith.index_cast %add3A_785 : i32 to index
        %swap3A_812 = tpu.vector_load %arg7[%swap3A_810, %swap3A_811] {strides = array<i32>} : memref<8x4096xf32, #tpu.memory_space<vmem>>, vector<16xf32>,
        tpu.vector_store %arg7[%swap3A_810, %swap3A_811], %add3A_808 {strides = array<i32>} : memref<8x4096xf32, #tpu.memory_space<vmem>>, vector<16xf32>,
        %broadcast_in_dim3A_813 = vector.shape_cast %broadcast_in_dim3A_6 : vector<16xi32> to vector<16x1xi32>
        %gather3A_814 = vector.shape_cast %broadcast_in_dim3A_813 : vector<16x1xi32> to vector<16xi32>
        %gather3A_815 = tpu.dynamic_gather %add3A_808[%gather3A_814] in [0] : vector<16xf32>, vector<16xi32> -> vector<16xf32>
        %mul3A_816 = arith.constant 64 : i32
        %mul3A_817 = arith.muli %scan3A_29, %mul3A_816 : i32
        %add3A_818 = arith.constant 32 : i32
        %add3A_819 = arith.addi %mul3A_817, %add3A_818 : i32
        %get3A_820 = arith.constant 5 : i32
        %get3A_821 = arith.index_cast %get3A_820 : i32 to index
        %get3A_822 = arith.index_cast %add3A_819 : i32 to index
        %get3A_823 = tpu.vector_load %arg5[%get3A_821, %get3A_822] {strides = array<i32>} : memref<8x4096xf32, #tpu.memory_space<vmem>>, vector<16xf32>,
        %shift_right_arithmetic3A_824 = arith.constant 2 : i32
        %shift_right_arithmetic3A_825 = vector.broadcast %shift_right_arithmetic3A_824 : i32 to vector<16xi32>
        %shift_right_arithmetic3A_826 = arith.shrsi %iota3A, %shift_right_arithmetic3A_825 : vector<16xi32>
        %add3A_827 = arith.constant 8 : i32
        %add3A_828 = vector.broadcast %add3A_827 : i32 to vector<16xi32>
        %add3A_829 = arith.addi %shift_right_arithmetic3A_826, %add3A_828 : vector<16xi32>
        %broadcast_in_dim3A_830 = vector.shape_cast %add3A_829 : vector<16xi32> to vector<16x1xi32>
        %gather3A_831 = vector.shape_cast %broadcast_in_dim3A_830 : vector<16x1xi32> to vector<16xi32>
        %gather3A_832 = tpu.dynamic_gather %get3A_747[%gather3A_831] in [0] : vector<16xi32>, vector<16xi32> -> vector<16xi32>
        %shift_right_arithmetic3A_833 = arith.shrsi %gather3A_832, %mul3A_5 : vector<16xi32>
        %and3A_834 = arith.constant 1 : i32
        %and3A_835 = vector.broadcast %and3A_834 : i32 to vector<16xi32>
        %and3A_836 = arith.andi %shift_right_arithmetic3A_833, %and3A_835 : vector<16xi32>
        %convert_element_type3A_837 = arith.sitofp %and3A_836 : vector<16xi32> to vector<16xf32>
        %mul3A_838 = arith.mulf %get3A_823, %convert_element_type3A_837 : vector<16xf32>
        %cumsum3A_839 = arith.constant true
        %cumsum3A_840 = vector.broadcast %cumsum3A_839 : i1 to vector<16xi1>
        %cumsum3A_841 = tpu.scan <sum>, %mul3A_838 masked %cumsum3A_840 : vector<16xf32>, vector<16xi1> -> vector<16xf32>
        %add3A_842 = arith.addf %cumsum3A_841, %gather3A_815 : vector<16xf32>
        %swap3A_843 = arith.constant 5 : i32
        %swap3A_844 = arith.index_cast %swap3A_843 : i32 to index
        %swap3A_845 = arith.index_cast %add3A_819 : i32 to index
        %swap3A_846 = tpu.vector_load %arg7[%swap3A_844, %swap3A_845] {strides = array<i32>} : memref<8x4096xf32, #tpu.memory_space<vmem>>, vector<16xf32>,
        tpu.vector_store %arg7[%swap3A_844, %swap3A_845], %add3A_842 {strides = array<i32>} : memref<8x4096xf32, #tpu.memory_space<vmem>>, vector<16xf32>,
        %broadcast_in_dim3A_847 = vector.shape_cast %broadcast_in_dim3A_6 : vector<16xi32> to vector<16x1xi32>
        %gather3A_848 = vector.shape_cast %broadcast_in_dim3A_847 : vector<16x1xi32> to vector<16xi32>
        %gather3A_849 = tpu.dynamic_gather %add3A_842[%gather3A_848] in [0] : vector<16xf32>, vector<16xi32> -> vector<16xf32>
        %mul3A_850 = arith.constant 64 : i32
        %mul3A_851 = arith.muli %scan3A_29, %mul3A_850 : i32
        %add3A_852 = arith.constant 48 : i32
        %add3A_853 = arith.addi %mul3A_851, %add3A_852 : i32
        %get3A_854 = arith.constant 5 : i32
        %get3A_855 = arith.index_cast %get3A_854 : i32 to index
        %get3A_856 = arith.index_cast %add3A_853 : i32 to index
        %get3A_857 = tpu.vector_load %arg5[%get3A_855, %get3A_856] {strides = array<i32>} : memref<8x4096xf32, #tpu.memory_space<vmem>>, vector<16xf32>,
        %shift_right_arithmetic3A_858 = arith.constant 2 : i32
        %shift_right_arithmetic3A_859 = vector.broadcast %shift_right_arithmetic3A_858 : i32 to vector<16xi32>
        %shift_right_arithmetic3A_860 = arith.shrsi %iota3A, %shift_right_arithmetic3A_859 : vector<16xi32>
        %add3A_861 = arith.constant 12 : i32
        %add3A_862 = vector.broadcast %add3A_861 : i32 to vector<16xi32>
        %add3A_863 = arith.addi %shift_right_arithmetic3A_860, %add3A_862 : vector<16xi32>
        %broadcast_in_dim3A_864 = vector.shape_cast %add3A_863 : vector<16xi32> to vector<16x1xi32>
        %gather3A_865 = vector.shape_cast %broadcast_in_dim3A_864 : vector<16x1xi32> to vector<16xi32>
        %gather3A_866 = tpu.dynamic_gather %get3A_747[%gather3A_865] in [0] : vector<16xi32>, vector<16xi32> -> vector<16xi32>
        %shift_right_arithmetic3A_867 = arith.shrsi %gather3A_866, %mul3A_5 : vector<16xi32>
        %and3A_868 = arith.constant 1 : i32
        %and3A_869 = vector.broadcast %and3A_868 : i32 to vector<16xi32>
        %and3A_870 = arith.andi %shift_right_arithmetic3A_867, %and3A_869 : vector<16xi32>
        %convert_element_type3A_871 = arith.sitofp %and3A_870 : vector<16xi32> to vector<16xf32>
        %mul3A_872 = arith.mulf %get3A_857, %convert_element_type3A_871 : vector<16xf32>
        %cumsum3A_873 = arith.constant true
        %cumsum3A_874 = vector.broadcast %cumsum3A_873 : i1 to vector<16xi1>
        %cumsum3A_875 = tpu.scan <sum>, %mul3A_872 masked %cumsum3A_874 : vector<16xf32>, vector<16xi1> -> vector<16xf32>
        %add3A_876 = arith.addf %cumsum3A_875, %gather3A_849 : vector<16xf32>
        %swap3A_877 = arith.constant 5 : i32
        %swap3A_878 = arith.index_cast %swap3A_877 : i32 to index
        %swap3A_879 = arith.index_cast %add3A_853 : i32 to index
        %swap3A_880 = tpu.vector_load %arg7[%swap3A_878, %swap3A_879] {strides = array<i32>} : memref<8x4096xf32, #tpu.memory_space<vmem>>, vector<16xf32>,
        tpu.vector_store %arg7[%swap3A_878, %swap3A_879], %add3A_876 {strides = array<i32>} : memref<8x4096xf32, #tpu.memory_space<vmem>>, vector<16xf32>,
        %broadcast_in_dim3A_881 = vector.shape_cast %broadcast_in_dim3A_6 : vector<16xi32> to vector<16x1xi32>
        %gather3A_882 = vector.shape_cast %broadcast_in_dim3A_881 : vector<16x1xi32> to vector<16xi32>
        %gather3A_883 = tpu.dynamic_gather %add3A_876[%gather3A_882] in [0] : vector<16xf32>, vector<16xi32> -> vector<16xf32>
        %mul3A_884 = arith.constant 16 : i32
        %mul3A_885 = arith.muli %scan3A_29, %mul3A_884 : i32
        %get3A_886 = arith.constant 6 : i32
        %get3A_887 = arith.index_cast %get3A_886 : i32 to index
        %get3A_888 = arith.index_cast %mul3A_885 : i32 to index
        %get3A_889 = tpu.vector_load %arg6[%get3A_887, %get3A_888] {strides = array<i32>} : memref<8x1024xi32, #tpu.memory_space<vmem>>, vector<16xi32>,
        %mul3A_890 = arith.constant 64 : i32
        %mul3A_891 = arith.muli %scan3A_29, %mul3A_890 : i32
        %add3A_892 = arith.constant 0 : i32
        %add3A_893 = arith.addi %mul3A_891, %add3A_892 : i32
        %get3A_894 = arith.constant 6 : i32
        %get3A_895 = arith.index_cast %get3A_894 : i32 to index
        %get3A_896 = arith.index_cast %add3A_893 : i32 to index
        %get3A_897 = tpu.vector_load %arg5[%get3A_895, %get3A_896] {strides = array<i32>} : memref<8x4096xf32, #tpu.memory_space<vmem>>, vector<16xf32>,
        %shift_right_arithmetic3A_898 = arith.constant 2 : i32
        %shift_right_arithmetic3A_899 = vector.broadcast %shift_right_arithmetic3A_898 : i32 to vector<16xi32>
        %shift_right_arithmetic3A_900 = arith.shrsi %iota3A, %shift_right_arithmetic3A_899 : vector<16xi32>
        %add3A_901 = arith.constant 0 : i32
        %add3A_902 = vector.broadcast %add3A_901 : i32 to vector<16xi32>
        %add3A_903 = arith.addi %shift_right_arithmetic3A_900, %add3A_902 : vector<16xi32>
        %broadcast_in_dim3A_904 = vector.shape_cast %add3A_903 : vector<16xi32> to vector<16x1xi32>
        %gather3A_905 = vector.shape_cast %broadcast_in_dim3A_904 : vector<16x1xi32> to vector<16xi32>
        %gather3A_906 = tpu.dynamic_gather %get3A_889[%gather3A_905] in [0] : vector<16xi32>, vector<16xi32> -> vector<16xi32>
        %shift_right_arithmetic3A_907 = arith.shrsi %gather3A_906, %mul3A_5 : vector<16xi32>
        %and3A_908 = arith.constant 1 : i32
        %and3A_909 = vector.broadcast %and3A_908 : i32 to vector<16xi32>
        %and3A_910 = arith.andi %shift_right_arithmetic3A_907, %and3A_909 : vector<16xi32>
        %convert_element_type3A_911 = arith.sitofp %and3A_910 : vector<16xi32> to vector<16xf32>
        %mul3A_912 = arith.mulf %get3A_897, %convert_element_type3A_911 : vector<16xf32>
        %cumsum3A_913 = arith.constant true
        %cumsum3A_914 = vector.broadcast %cumsum3A_913 : i1 to vector<16xi1>
        %cumsum3A_915 = tpu.scan <sum>, %mul3A_912 masked %cumsum3A_914 : vector<16xf32>, vector<16xi1> -> vector<16xf32>
        %add3A_916 = arith.addf %cumsum3A_915, %scan3A_36 : vector<16xf32>
        %swap3A_917 = arith.constant 6 : i32
        %swap3A_918 = arith.index_cast %swap3A_917 : i32 to index
        %swap3A_919 = arith.index_cast %add3A_893 : i32 to index
        %swap3A_920 = tpu.vector_load %arg7[%swap3A_918, %swap3A_919] {strides = array<i32>} : memref<8x4096xf32, #tpu.memory_space<vmem>>, vector<16xf32>,
        tpu.vector_store %arg7[%swap3A_918, %swap3A_919], %add3A_916 {strides = array<i32>} : memref<8x4096xf32, #tpu.memory_space<vmem>>, vector<16xf32>,
        %broadcast_in_dim3A_921 = vector.shape_cast %broadcast_in_dim3A_6 : vector<16xi32> to vector<16x1xi32>
        %gather3A_922 = vector.shape_cast %broadcast_in_dim3A_921 : vector<16x1xi32> to vector<16xi32>
        %gather3A_923 = tpu.dynamic_gather %add3A_916[%gather3A_922] in [0] : vector<16xf32>, vector<16xi32> -> vector<16xf32>
        %mul3A_924 = arith.constant 64 : i32
        %mul3A_925 = arith.muli %scan3A_29, %mul3A_924 : i32
        %add3A_926 = arith.constant 16 : i32
        %add3A_927 = arith.addi %mul3A_925, %add3A_926 : i32
        %get3A_928 = arith.constant 6 : i32
        %get3A_929 = arith.index_cast %get3A_928 : i32 to index
        %get3A_930 = arith.index_cast %add3A_927 : i32 to index
        %get3A_931 = tpu.vector_load %arg5[%get3A_929, %get3A_930] {strides = array<i32>} : memref<8x4096xf32, #tpu.memory_space<vmem>>, vector<16xf32>,
        %shift_right_arithmetic3A_932 = arith.constant 2 : i32
        %shift_right_arithmetic3A_933 = vector.broadcast %shift_right_arithmetic3A_932 : i32 to vector<16xi32>
        %shift_right_arithmetic3A_934 = arith.shrsi %iota3A, %shift_right_arithmetic3A_933 : vector<16xi32>
        %add3A_935 = arith.constant 4 : i32
        %add3A_936 = vector.broadcast %add3A_935 : i32 to vector<16xi32>
        %add3A_937 = arith.addi %shift_right_arithmetic3A_934, %add3A_936 : vector<16xi32>
        %broadcast_in_dim3A_938 = vector.shape_cast %add3A_937 : vector<16xi32> to vector<16x1xi32>
        %gather3A_939 = vector.shape_cast %broadcast_in_dim3A_938 : vector<16x1xi32> to vector<16xi32>
        %gather3A_940 = tpu.dynamic_gather %get3A_889[%gather3A_939] in [0] : vector<16xi32>, vector<16xi32> -> vector<16xi32>
        %shift_right_arithmetic3A_941 = arith.shrsi %gather3A_940, %mul3A_5 : vector<16xi32>
        %and3A_942 = arith.constant 1 : i32
        %and3A_943 = vector.broadcast %and3A_942 : i32 to vector<16xi32>
        %and3A_944 = arith.andi %shift_right_arithmetic3A_941, %and3A_943 : vector<16xi32>
        %convert_element_type3A_945 = arith.sitofp %and3A_944 : vector<16xi32> to vector<16xf32>
        %mul3A_946 = arith.mulf %get3A_931, %convert_element_type3A_945 : vector<16xf32>
        %cumsum3A_947 = arith.constant true
        %cumsum3A_948 = vector.broadcast %cumsum3A_947 : i1 to vector<16xi1>
        %cumsum3A_949 = tpu.scan <sum>, %mul3A_946 masked %cumsum3A_948 : vector<16xf32>, vector<16xi1> -> vector<16xf32>
        %add3A_950 = arith.addf %cumsum3A_949, %gather3A_923 : vector<16xf32>
        %swap3A_951 = arith.constant 6 : i32
        %swap3A_952 = arith.index_cast %swap3A_951 : i32 to index
        %swap3A_953 = arith.index_cast %add3A_927 : i32 to index
        %swap3A_954 = tpu.vector_load %arg7[%swap3A_952, %swap3A_953] {strides = array<i32>} : memref<8x4096xf32, #tpu.memory_space<vmem>>, vector<16xf32>,
        tpu.vector_store %arg7[%swap3A_952, %swap3A_953], %add3A_950 {strides = array<i32>} : memref<8x4096xf32, #tpu.memory_space<vmem>>, vector<16xf32>,
        %broadcast_in_dim3A_955 = vector.shape_cast %broadcast_in_dim3A_6 : vector<16xi32> to vector<16x1xi32>
        %gather3A_956 = vector.shape_cast %broadcast_in_dim3A_955 : vector<16x1xi32> to vector<16xi32>
        %gather3A_957 = tpu.dynamic_gather %add3A_950[%gather3A_956] in [0] : vector<16xf32>, vector<16xi32> -> vector<16xf32>
        %mul3A_958 = arith.constant 64 : i32
        %mul3A_959 = arith.muli %scan3A_29, %mul3A_958 : i32
        %add3A_960 = arith.constant 32 : i32
        %add3A_961 = arith.addi %mul3A_959, %add3A_960 : i32
        %get3A_962 = arith.constant 6 : i32
        %get3A_963 = arith.index_cast %get3A_962 : i32 to index
        %get3A_964 = arith.index_cast %add3A_961 : i32 to index
        %get3A_965 = tpu.vector_load %arg5[%get3A_963, %get3A_964] {strides = array<i32>} : memref<8x4096xf32, #tpu.memory_space<vmem>>, vector<16xf32>,
        %shift_right_arithmetic3A_966 = arith.constant 2 : i32
        %shift_right_arithmetic3A_967 = vector.broadcast %shift_right_arithmetic3A_966 : i32 to vector<16xi32>
        %shift_right_arithmetic3A_968 = arith.shrsi %iota3A, %shift_right_arithmetic3A_967 : vector<16xi32>
        %add3A_969 = arith.constant 8 : i32
        %add3A_970 = vector.broadcast %add3A_969 : i32 to vector<16xi32>
        %add3A_971 = arith.addi %shift_right_arithmetic3A_968, %add3A_970 : vector<16xi32>
        %broadcast_in_dim3A_972 = vector.shape_cast %add3A_971 : vector<16xi32> to vector<16x1xi32>
        %gather3A_973 = vector.shape_cast %broadcast_in_dim3A_972 : vector<16x1xi32> to vector<16xi32>
        %gather3A_974 = tpu.dynamic_gather %get3A_889[%gather3A_973] in [0] : vector<16xi32>, vector<16xi32> -> vector<16xi32>
        %shift_right_arithmetic3A_975 = arith.shrsi %gather3A_974, %mul3A_5 : vector<16xi32>
        %and3A_976 = arith.constant 1 : i32
        %and3A_977 = vector.broadcast %and3A_976 : i32 to vector<16xi32>
        %and3A_978 = arith.andi %shift_right_arithmetic3A_975, %and3A_977 : vector<16xi32>
        %convert_element_type3A_979 = arith.sitofp %and3A_978 : vector<16xi32> to vector<16xf32>
        %mul3A_980 = arith.mulf %get3A_965, %convert_element_type3A_979 : vector<16xf32>
        %cumsum3A_981 = arith.constant true
        %cumsum3A_982 = vector.broadcast %cumsum3A_981 : i1 to vector<16xi1>
        %cumsum3A_983 = tpu.scan <sum>, %mul3A_980 masked %cumsum3A_982 : vector<16xf32>, vector<16xi1> -> vector<16xf32>
        %add3A_984 = arith.addf %cumsum3A_983, %gather3A_957 : vector<16xf32>
        %swap3A_985 = arith.constant 6 : i32
        %swap3A_986 = arith.index_cast %swap3A_985 : i32 to index
        %swap3A_987 = arith.index_cast %add3A_961 : i32 to index
        %swap3A_988 = tpu.vector_load %arg7[%swap3A_986, %swap3A_987] {strides = array<i32>} : memref<8x4096xf32, #tpu.memory_space<vmem>>, vector<16xf32>,
        tpu.vector_store %arg7[%swap3A_986, %swap3A_987], %add3A_984 {strides = array<i32>} : memref<8x4096xf32, #tpu.memory_space<vmem>>, vector<16xf32>,
        %broadcast_in_dim3A_989 = vector.shape_cast %broadcast_in_dim3A_6 : vector<16xi32> to vector<16x1xi32>
        %gather3A_990 = vector.shape_cast %broadcast_in_dim3A_989 : vector<16x1xi32> to vector<16xi32>
        %gather3A_991 = tpu.dynamic_gather %add3A_984[%gather3A_990] in [0] : vector<16xf32>, vector<16xi32> -> vector<16xf32>
        %mul3A_992 = arith.constant 64 : i32
        %mul3A_993 = arith.muli %scan3A_29, %mul3A_992 : i32
        %add3A_994 = arith.constant 48 : i32
        %add3A_995 = arith.addi %mul3A_993, %add3A_994 : i32
        %get3A_996 = arith.constant 6 : i32
        %get3A_997 = arith.index_cast %get3A_996 : i32 to index
        %get3A_998 = arith.index_cast %add3A_995 : i32 to index
        %get3A_999 = tpu.vector_load %arg5[%get3A_997, %get3A_998] {strides = array<i32>} : memref<8x4096xf32, #tpu.memory_space<vmem>>, vector<16xf32>,
        %shift_right_arithmetic3A_1000 = arith.constant 2 : i32
        %shift_right_arithmetic3A_1001 = vector.broadcast %shift_right_arithmetic3A_1000 : i32 to vector<16xi32>
        %shift_right_arithmetic3A_1002 = arith.shrsi %iota3A, %shift_right_arithmetic3A_1001 : vector<16xi32>
        %add3A_1003 = arith.constant 12 : i32
        %add3A_1004 = vector.broadcast %add3A_1003 : i32 to vector<16xi32>
        %add3A_1005 = arith.addi %shift_right_arithmetic3A_1002, %add3A_1004 : vector<16xi32>
        %broadcast_in_dim3A_1006 = vector.shape_cast %add3A_1005 : vector<16xi32> to vector<16x1xi32>
        %gather3A_1007 = vector.shape_cast %broadcast_in_dim3A_1006 : vector<16x1xi32> to vector<16xi32>
        %gather3A_1008 = tpu.dynamic_gather %get3A_889[%gather3A_1007] in [0] : vector<16xi32>, vector<16xi32> -> vector<16xi32>
        %shift_right_arithmetic3A_1009 = arith.shrsi %gather3A_1008, %mul3A_5 : vector<16xi32>
        %and3A_1010 = arith.constant 1 : i32
        %and3A_1011 = vector.broadcast %and3A_1010 : i32 to vector<16xi32>
        %and3A_1012 = arith.andi %shift_right_arithmetic3A_1009, %and3A_1011 : vector<16xi32>
        %convert_element_type3A_1013 = arith.sitofp %and3A_1012 : vector<16xi32> to vector<16xf32>
        %mul3A_1014 = arith.mulf %get3A_999, %convert_element_type3A_1013 : vector<16xf32>
        %cumsum3A_1015 = arith.constant true
        %cumsum3A_1016 = vector.broadcast %cumsum3A_1015 : i1 to vector<16xi1>
        %cumsum3A_1017 = tpu.scan <sum>, %mul3A_1014 masked %cumsum3A_1016 : vector<16xf32>, vector<16xi1> -> vector<16xf32>
        %add3A_1018 = arith.addf %cumsum3A_1017, %gather3A_991 : vector<16xf32>
        %swap3A_1019 = arith.constant 6 : i32
        %swap3A_1020 = arith.index_cast %swap3A_1019 : i32 to index
        %swap3A_1021 = arith.index_cast %add3A_995 : i32 to index
        %swap3A_1022 = tpu.vector_load %arg7[%swap3A_1020, %swap3A_1021] {strides = array<i32>} : memref<8x4096xf32, #tpu.memory_space<vmem>>, vector<16xf32>,
        tpu.vector_store %arg7[%swap3A_1020, %swap3A_1021], %add3A_1018 {strides = array<i32>} : memref<8x4096xf32, #tpu.memory_space<vmem>>, vector<16xf32>,
        %broadcast_in_dim3A_1023 = vector.shape_cast %broadcast_in_dim3A_6 : vector<16xi32> to vector<16x1xi32>
        %gather3A_1024 = vector.shape_cast %broadcast_in_dim3A_1023 : vector<16x1xi32> to vector<16xi32>
        %gather3A_1025 = tpu.dynamic_gather %add3A_1018[%gather3A_1024] in [0] : vector<16xf32>, vector<16xi32> -> vector<16xf32>
        %mul3A_1026 = arith.constant 16 : i32
        %mul3A_1027 = arith.muli %scan3A_29, %mul3A_1026 : i32
        %get3A_1028 = arith.constant 7 : i32
        %get3A_1029 = arith.index_cast %get3A_1028 : i32 to index
        %get3A_1030 = arith.index_cast %mul3A_1027 : i32 to index
        %get3A_1031 = tpu.vector_load %arg6[%get3A_1029, %get3A_1030] {strides = array<i32>} : memref<8x1024xi32, #tpu.memory_space<vmem>>, vector<16xi32>,
        %mul3A_1032 = arith.constant 64 : i32
        %mul3A_1033 = arith.muli %scan3A_29, %mul3A_1032 : i32
        %add3A_1034 = arith.constant 0 : i32
        %add3A_1035 = arith.addi %mul3A_1033, %add3A_1034 : i32
        %get3A_1036 = arith.constant 7 : i32
        %get3A_1037 = arith.index_cast %get3A_1036 : i32 to index
        %get3A_1038 = arith.index_cast %add3A_1035 : i32 to index
        %get3A_1039 = tpu.vector_load %arg5[%get3A_1037, %get3A_1038] {strides = array<i32>} : memref<8x4096xf32, #tpu.memory_space<vmem>>, vector<16xf32>,
        %shift_right_arithmetic3A_1040 = arith.constant 2 : i32
        %shift_right_arithmetic3A_1041 = vector.broadcast %shift_right_arithmetic3A_1040 : i32 to vector<16xi32>
        %shift_right_arithmetic3A_1042 = arith.shrsi %iota3A, %shift_right_arithmetic3A_1041 : vector<16xi32>
        %add3A_1043 = arith.constant 0 : i32
        %add3A_1044 = vector.broadcast %add3A_1043 : i32 to vector<16xi32>
        %add3A_1045 = arith.addi %shift_right_arithmetic3A_1042, %add3A_1044 : vector<16xi32>
        %broadcast_in_dim3A_1046 = vector.shape_cast %add3A_1045 : vector<16xi32> to vector<16x1xi32>
        %gather3A_1047 = vector.shape_cast %broadcast_in_dim3A_1046 : vector<16x1xi32> to vector<16xi32>
        %gather3A_1048 = tpu.dynamic_gather %get3A_1031[%gather3A_1047] in [0] : vector<16xi32>, vector<16xi32> -> vector<16xi32>
        %shift_right_arithmetic3A_1049 = arith.shrsi %gather3A_1048, %mul3A_5 : vector<16xi32>
        %and3A_1050 = arith.constant 1 : i32
        %and3A_1051 = vector.broadcast %and3A_1050 : i32 to vector<16xi32>
        %and3A_1052 = arith.andi %shift_right_arithmetic3A_1049, %and3A_1051 : vector<16xi32>
        %convert_element_type3A_1053 = arith.sitofp %and3A_1052 : vector<16xi32> to vector<16xf32>
        %mul3A_1054 = arith.mulf %get3A_1039, %convert_element_type3A_1053 : vector<16xf32>
        %cumsum3A_1055 = arith.constant true
        %cumsum3A_1056 = vector.broadcast %cumsum3A_1055 : i1 to vector<16xi1>
        %cumsum3A_1057 = tpu.scan <sum>, %mul3A_1054 masked %cumsum3A_1056 : vector<16xf32>, vector<16xi1> -> vector<16xf32>
        %add3A_1058 = arith.addf %cumsum3A_1057, %scan3A_37 : vector<16xf32>
        %swap3A_1059 = arith.constant 7 : i32
        %swap3A_1060 = arith.index_cast %swap3A_1059 : i32 to index
        %swap3A_1061 = arith.index_cast %add3A_1035 : i32 to index
        %swap3A_1062 = tpu.vector_load %arg7[%swap3A_1060, %swap3A_1061] {strides = array<i32>} : memref<8x4096xf32, #tpu.memory_space<vmem>>, vector<16xf32>,
        tpu.vector_store %arg7[%swap3A_1060, %swap3A_1061], %add3A_1058 {strides = array<i32>} : memref<8x4096xf32, #tpu.memory_space<vmem>>, vector<16xf32>,
        %broadcast_in_dim3A_1063 = vector.shape_cast %broadcast_in_dim3A_6 : vector<16xi32> to vector<16x1xi32>
        %gather3A_1064 = vector.shape_cast %broadcast_in_dim3A_1063 : vector<16x1xi32> to vector<16xi32>
        %gather3A_1065 = tpu.dynamic_gather %add3A_1058[%gather3A_1064] in [0] : vector<16xf32>, vector<16xi32> -> vector<16xf32>
        %mul3A_1066 = arith.constant 64 : i32
        %mul3A_1067 = arith.muli %scan3A_29, %mul3A_1066 : i32
        %add3A_1068 = arith.constant 16 : i32
        %add3A_1069 = arith.addi %mul3A_1067, %add3A_1068 : i32
        %get3A_1070 = arith.constant 7 : i32
        %get3A_1071 = arith.index_cast %get3A_1070 : i32 to index
        %get3A_1072 = arith.index_cast %add3A_1069 : i32 to index
        %get3A_1073 = tpu.vector_load %arg5[%get3A_1071, %get3A_1072] {strides = array<i32>} : memref<8x4096xf32, #tpu.memory_space<vmem>>, vector<16xf32>,
        %shift_right_arithmetic3A_1074 = arith.constant 2 : i32
        %shift_right_arithmetic3A_1075 = vector.broadcast %shift_right_arithmetic3A_1074 : i32 to vector<16xi32>
        %shift_right_arithmetic3A_1076 = arith.shrsi %iota3A, %shift_right_arithmetic3A_1075 : vector<16xi32>
        %add3A_1077 = arith.constant 4 : i32
        %add3A_1078 = vector.broadcast %add3A_1077 : i32 to vector<16xi32>
        %add3A_1079 = arith.addi %shift_right_arithmetic3A_1076, %add3A_1078 : vector<16xi32>
        %broadcast_in_dim3A_1080 = vector.shape_cast %add3A_1079 : vector<16xi32> to vector<16x1xi32>
        %gather3A_1081 = vector.shape_cast %broadcast_in_dim3A_1080 : vector<16x1xi32> to vector<16xi32>
        %gather3A_1082 = tpu.dynamic_gather %get3A_1031[%gather3A_1081] in [0] : vector<16xi32>, vector<16xi32> -> vector<16xi32>
        %shift_right_arithmetic3A_1083 = arith.shrsi %gather3A_1082, %mul3A_5 : vector<16xi32>
        %and3A_1084 = arith.constant 1 : i32
        %and3A_1085 = vector.broadcast %and3A_1084 : i32 to vector<16xi32>
        %and3A_1086 = arith.andi %shift_right_arithmetic3A_1083, %and3A_1085 : vector<16xi32>
        %convert_element_type3A_1087 = arith.sitofp %and3A_1086 : vector<16xi32> to vector<16xf32>
        %mul3A_1088 = arith.mulf %get3A_1073, %convert_element_type3A_1087 : vector<16xf32>
        %cumsum3A_1089 = arith.constant true
        %cumsum3A_1090 = vector.broadcast %cumsum3A_1089 : i1 to vector<16xi1>
        %cumsum3A_1091 = tpu.scan <sum>, %mul3A_1088 masked %cumsum3A_1090 : vector<16xf32>, vector<16xi1> -> vector<16xf32>
        %add3A_1092 = arith.addf %cumsum3A_1091, %gather3A_1065 : vector<16xf32>
        %swap3A_1093 = arith.constant 7 : i32
        %swap3A_1094 = arith.index_cast %swap3A_1093 : i32 to index
        %swap3A_1095 = arith.index_cast %add3A_1069 : i32 to index
        %swap3A_1096 = tpu.vector_load %arg7[%swap3A_1094, %swap3A_1095] {strides = array<i32>} : memref<8x4096xf32, #tpu.memory_space<vmem>>, vector<16xf32>,
        tpu.vector_store %arg7[%swap3A_1094, %swap3A_1095], %add3A_1092 {strides = array<i32>} : memref<8x4096xf32, #tpu.memory_space<vmem>>, vector<16xf32>,
        %broadcast_in_dim3A_1097 = vector.shape_cast %broadcast_in_dim3A_6 : vector<16xi32> to vector<16x1xi32>
        %gather3A_1098 = vector.shape_cast %broadcast_in_dim3A_1097 : vector<16x1xi32> to vector<16xi32>
        %gather3A_1099 = tpu.dynamic_gather %add3A_1092[%gather3A_1098] in [0] : vector<16xf32>, vector<16xi32> -> vector<16xf32>
        %mul3A_1100 = arith.constant 64 : i32
        %mul3A_1101 = arith.muli %scan3A_29, %mul3A_1100 : i32
        %add3A_1102 = arith.constant 32 : i32
        %add3A_1103 = arith.addi %mul3A_1101, %add3A_1102 : i32
        %get3A_1104 = arith.constant 7 : i32
        %get3A_1105 = arith.index_cast %get3A_1104 : i32 to index
        %get3A_1106 = arith.index_cast %add3A_1103 : i32 to index
        %get3A_1107 = tpu.vector_load %arg5[%get3A_1105, %get3A_1106] {strides = array<i32>} : memref<8x4096xf32, #tpu.memory_space<vmem>>, vector<16xf32>,
        %shift_right_arithmetic3A_1108 = arith.constant 2 : i32
        %shift_right_arithmetic3A_1109 = vector.broadcast %shift_right_arithmetic3A_1108 : i32 to vector<16xi32>
        %shift_right_arithmetic3A_1110 = arith.shrsi %iota3A, %shift_right_arithmetic3A_1109 : vector<16xi32>
        %add3A_1111 = arith.constant 8 : i32
        %add3A_1112 = vector.broadcast %add3A_1111 : i32 to vector<16xi32>
        %add3A_1113 = arith.addi %shift_right_arithmetic3A_1110, %add3A_1112 : vector<16xi32>
        %broadcast_in_dim3A_1114 = vector.shape_cast %add3A_1113 : vector<16xi32> to vector<16x1xi32>
        %gather3A_1115 = vector.shape_cast %broadcast_in_dim3A_1114 : vector<16x1xi32> to vector<16xi32>
        %gather3A_1116 = tpu.dynamic_gather %get3A_1031[%gather3A_1115] in [0] : vector<16xi32>, vector<16xi32> -> vector<16xi32>
        %shift_right_arithmetic3A_1117 = arith.shrsi %gather3A_1116, %mul3A_5 : vector<16xi32>
        %and3A_1118 = arith.constant 1 : i32
        %and3A_1119 = vector.broadcast %and3A_1118 : i32 to vector<16xi32>
        %and3A_1120 = arith.andi %shift_right_arithmetic3A_1117, %and3A_1119 : vector<16xi32>
        %convert_element_type3A_1121 = arith.sitofp %and3A_1120 : vector<16xi32> to vector<16xf32>
        %mul3A_1122 = arith.mulf %get3A_1107, %convert_element_type3A_1121 : vector<16xf32>
        %cumsum3A_1123 = arith.constant true
        %cumsum3A_1124 = vector.broadcast %cumsum3A_1123 : i1 to vector<16xi1>
        %cumsum3A_1125 = tpu.scan <sum>, %mul3A_1122 masked %cumsum3A_1124 : vector<16xf32>, vector<16xi1> -> vector<16xf32>
        %add3A_1126 = arith.addf %cumsum3A_1125, %gather3A_1099 : vector<16xf32>
        %swap3A_1127 = arith.constant 7 : i32
        %swap3A_1128 = arith.index_cast %swap3A_1127 : i32 to index
        %swap3A_1129 = arith.index_cast %add3A_1103 : i32 to index
        %swap3A_1130 = tpu.vector_load %arg7[%swap3A_1128, %swap3A_1129] {strides = array<i32>} : memref<8x4096xf32, #tpu.memory_space<vmem>>, vector<16xf32>,
        tpu.vector_store %arg7[%swap3A_1128, %swap3A_1129], %add3A_1126 {strides = array<i32>} : memref<8x4096xf32, #tpu.memory_space<vmem>>, vector<16xf32>,
        %broadcast_in_dim3A_1131 = vector.shape_cast %broadcast_in_dim3A_6 : vector<16xi32> to vector<16x1xi32>
        %gather3A_1132 = vector.shape_cast %broadcast_in_dim3A_1131 : vector<16x1xi32> to vector<16xi32>
        %gather3A_1133 = tpu.dynamic_gather %add3A_1126[%gather3A_1132] in [0] : vector<16xf32>, vector<16xi32> -> vector<16xf32>
        %mul3A_1134 = arith.constant 64 : i32
        %mul3A_1135 = arith.muli %scan3A_29, %mul3A_1134 : i32
        %add3A_1136 = arith.constant 48 : i32
        %add3A_1137 = arith.addi %mul3A_1135, %add3A_1136 : i32
        %get3A_1138 = arith.constant 7 : i32
        %get3A_1139 = arith.index_cast %get3A_1138 : i32 to index
        %get3A_1140 = arith.index_cast %add3A_1137 : i32 to index
        %get3A_1141 = tpu.vector_load %arg5[%get3A_1139, %get3A_1140] {strides = array<i32>} : memref<8x4096xf32, #tpu.memory_space<vmem>>, vector<16xf32>,
        %shift_right_arithmetic3A_1142 = arith.constant 2 : i32
        %shift_right_arithmetic3A_1143 = vector.broadcast %shift_right_arithmetic3A_1142 : i32 to vector<16xi32>
        %shift_right_arithmetic3A_1144 = arith.shrsi %iota3A, %shift_right_arithmetic3A_1143 : vector<16xi32>
        %add3A_1145 = arith.constant 12 : i32
        %add3A_1146 = vector.broadcast %add3A_1145 : i32 to vector<16xi32>
        %add3A_1147 = arith.addi %shift_right_arithmetic3A_1144, %add3A_1146 : vector<16xi32>
        %broadcast_in_dim3A_1148 = vector.shape_cast %add3A_1147 : vector<16xi32> to vector<16x1xi32>
        %gather3A_1149 = vector.shape_cast %broadcast_in_dim3A_1148 : vector<16x1xi32> to vector<16xi32>
        %gather3A_1150 = tpu.dynamic_gather %get3A_1031[%gather3A_1149] in [0] : vector<16xi32>, vector<16xi32> -> vector<16xi32>
        %shift_right_arithmetic3A_1151 = arith.shrsi %gather3A_1150, %mul3A_5 : vector<16xi32>
        %and3A_1152 = arith.constant 1 : i32
        %and3A_1153 = vector.broadcast %and3A_1152 : i32 to vector<16xi32>
        %and3A_1154 = arith.andi %shift_right_arithmetic3A_1151, %and3A_1153 : vector<16xi32>
        %convert_element_type3A_1155 = arith.sitofp %and3A_1154 : vector<16xi32> to vector<16xf32>
        %mul3A_1156 = arith.mulf %get3A_1141, %convert_element_type3A_1155 : vector<16xf32>
        %cumsum3A_1157 = arith.constant true
        %cumsum3A_1158 = vector.broadcast %cumsum3A_1157 : i1 to vector<16xi1>
        %cumsum3A_1159 = tpu.scan <sum>, %mul3A_1156 masked %cumsum3A_1158 : vector<16xf32>, vector<16xi1> -> vector<16xf32>
        %add3A_1160 = arith.addf %cumsum3A_1159, %gather3A_1133 : vector<16xf32>
        %swap3A_1161 = arith.constant 7 : i32
        %swap3A_1162 = arith.index_cast %swap3A_1161 : i32 to index
        %swap3A_1163 = arith.index_cast %add3A_1137 : i32 to index
        %swap3A_1164 = tpu.vector_load %arg7[%swap3A_1162, %swap3A_1163] {strides = array<i32>} : memref<8x4096xf32, #tpu.memory_space<vmem>>, vector<16xf32>,
        tpu.vector_store %arg7[%swap3A_1162, %swap3A_1163], %add3A_1160 {strides = array<i32>} : memref<8x4096xf32, #tpu.memory_space<vmem>>, vector<16xf32>,
        %broadcast_in_dim3A_1165 = vector.shape_cast %broadcast_in_dim3A_6 : vector<16xi32> to vector<16x1xi32>
        %gather3A_1166 = vector.shape_cast %broadcast_in_dim3A_1165 : vector<16x1xi32> to vector<16xi32>
        %gather3A_1167 = tpu.dynamic_gather %add3A_1160[%gather3A_1166] in [0] : vector<16xf32>, vector<16xi32> -> vector<16xf32>
        scf.yield %gather3A_173, %gather3A_315, %gather3A_457, %gather3A_599, %gather3A_741, %gather3A_883, %gather3A_1025, %gather3A_1167 : vector<16xf32>, vector<16xf32>, vector<16xf32>, vector<16xf32>, vector<16xf32>, vector<16xf32>, vector<16xf32>, vector<16xf32>
      }
      %scan3A_27 = arith.constant 64 : i32
      "tpu.region"() ({
        %run_scoped3A = tpu.sem_alloc : memref<!tpu.dma_semaphore, #tpu.memory_space<semaphore_mem>>
        %dma_start3A = arith.constant 0 : i32
        %dma_start3A_29 = tpu.memref_slice %arg4[%add3A_19, %dma_start3A] : memref<4096x4096xf32, #tpu.memory_space<hbm>> -> memref<8x4096xf32, #tpu.memory_space<hbm>>
        %dma_start3A_30 = arith.constant 0 : i32
        %dma_start3A_31 = tpu.memref_slice %arg4[%add3A_19, %dma_start3A_30] : memref<4096x4096xf32, #tpu.memory_space<hbm>> -> memref<8x4096xf32, #tpu.memory_space<hbm>>
        tpu.enqueue_dma source(%arg7 : memref<8x4096xf32, #tpu.memory_space<vmem>>) target(%dma_start3A_31 : memref<8x4096xf32, #tpu.memory_space<hbm>>) target_semaphore(%run_scoped3A : memref<!tpu.dma_semaphore, #tpu.memory_space<semaphore_mem>>)
        %dma_wait3A = arith.constant 0 : i32
        %dma_wait3A_32 = tpu.memref_slice %arg4[%add3A_19, %dma_wait3A] : memref<4096x4096xf32, #tpu.memory_space<hbm>> -> memref<8x4096xf32, #tpu.memory_space<hbm>>
        %dma_wait3A_33 = arith.constant 0 : i32
        %dma_wait3A_34 = tpu.memref_slice %arg4[%add3A_19, %dma_wait3A_33] : memref<4096x4096xf32, #tpu.memory_space<hbm>> -> memref<8x4096xf32, #tpu.memory_space<hbm>>
        tpu.wait_dma2 semaphore(%run_scoped3A : memref<!tpu.dma_semaphore, #tpu.memory_space<semaphore_mem>>) src(%arg7 : memref<8x4096xf32, #tpu.memory_space<vmem>>) dst(%dma_wait3A_34 : memref<8x4096xf32, #tpu.memory_space<hbm>>)
        tpu.yield
      }) : () -> ()
      %scan3A_28 = arith.constant 0 : i32
      scf.yield %scan3A_28 : i32
    }
    %scan3A_12 = arith.constant 16 : i32
    return
  }
}

</mosaic_0001>

<sc_bundles>
// kernel: kernel.3.cloned.1.call-start
scs
__scs_entry_jumppad:
0x0: {  	(pc) =	sbr.rel $0x88, $3  }
0x1: {  	(tag) =	ssettag $0x0;
	lr =	simm.s32 $0x1  }
0x2: {  	[smem:$0x3F9F] =	sst lr;
	_ =	strace $0xD0000000  }
0x3: {  	_ = 	snop  }
0x4: {  	_ = 	snop  }
0x5: {  	_ = 	snop  }
0x6: {  	_ = 	snop  }
0x7: {  	_ = 	snop  }
__scs_overlays_trampoline_lowered:
0x8: {  	[smem:$0x3FAE] =	sst s0  }
0x9: {  	[smem:$0x3FAF] =	sst s1  }
0xa: {  	[smem:$0x3FB0] =	sst s2  }
0xb: {  	[smem:$0x3FB1] =	sst s3  }
0xc: {  	[smem:$0x3FB2] =	sst s4  }
0xd: {  	[smem:$0x3FB3] =	sst s5  }
0xe: {  	[smem:$0x3FB4] =	sst s6  }
0xf: {  	[smem:$0x3FB5] =	sst s7  }
0x10: {  	[smem:$0x3FB6] =	sst s8  }
0x11: {  	[smem:$0x3FB7] =	sst s9;
	s0 =	simm.s32 @!p0 $0x0  }
0x12: {  	s1 =	sld [smem:$0x3F9D];
	s0 =	simm.s32 @p0 $0x1  }
0x13: {  	[smem:$0x3FB8] =	sst s0;
	s0 =	simm.s32 @!p1 $0x0  }
0x14: {  	s2 =	sld [smem:$0x3F9C];
	s0 =	simm.s32 @p1 $0x1  }
0x15: {  	[smem:$0x3FB9] =	sst s0;
	s0 =	simm.s32 @!p2 $0x0  }
0x16: {  	s3 =	sld [smem:$0x3FDB];
	s0 =	simm.s32 @p2 $0x1  }
0x17: {  	s4 =	simm.s32 $0x1BF5;
	[smem:$0x3FBB] =	sst s0  }
0x18: {  	s0 =	sld [smem:$0x3F9E];
	_ =	swait.ge [sflag:s4], $0x0  }
0x19: {  	s7 =	sld [smem:$0x3F9F]  }
0x1a: {  	s8 =	sadd.s32 $0xFFFFE003, lr  }
0x1b: {  	s9 =	sadd.s32 $0xFFFFFEF7, lr;
	s5 =	simm.s32 $0xFFFFFFFF;
	p2 =	slt.u32 s8, $0xFFFFF086  }
0x1c: {  	p1 =	slt.u32 s9, $0xF7A;
	s5 =	simm.s32 @!p2 $0x0  }
0x1d: {  	s5 =	simm.s32 @p1 $0x1;
	p0 =	seq.s32 s7, s2  }
0x1e: {  	s7 =	smul.u32 @!p0 $0xF7A, s2;
	p2 =	seq.s32 @!p0 s5, $0x0  }
0x1f: {  	s9 =	smul.u32 $0xF7A, s1;
	s8 =	simm.s32 @!p0 $0x1BF5;
	p2 =	por !p2, p0  }
0x20: {  	[sflag:s8] =	ssyncset.s32 @!p0 $0xFFFFF086;
	s6 =	sadd.s32 @!p0 s3, s7;
	s7 =	simm.s32 @!p0 $0x108  }
0x21: {  	s3 =	sadd.s32 s3, s9;
	s6 =	sadd.s32 @!p0 $0x88, s6;
	s7 =	simm.s32 @p2 $0x1082  }
0x22: {  	[simem:s7], [sflag:s8] =	dma.local @!p0 [hbm:s6], $0xF7A  }
0x23: {  	s9 =	sor.u32 $0xD0000000, s2;
	s6 =	simm.s32 $0x108;
	_ =	swait.ge @!p0 [sflag:s8], $0x0  }
0x24: {  	s3 =	sadd.s32 $0x88, s3;
	s6 =	simm.s32 @!p1 $0x1082;
	[sflag:s4] =	ssyncset.s32 $0xFFFFF086  }
0x25: {  	[simem:s6], [sflag:s4] =	dma.local [hbm:s3], $0xF7A  }
0x26: {  	[smem:$0x3F9F] =	sst s1;
	(tag) =	ssettag s2;
	_ =	strace s9  }
0x27: {  	s1 =	sld [smem:$0x3FAF]  }
0x28: {  	s2 =	sld [smem:$0x3FB0]  }
0x29: {  	s4 =	sld [smem:$0x3FB2]  }
0x2a: {  	p0 =	seq.s32 s5, $0x0;
	s5 =	sld [smem:$0x3FB3]  }
0x2b: {  	s6 =	sld [smem:$0x3FB4]  }
0x2c: {  	s7 =	sld [smem:$0x3FB5]  }
0x2d: {  	s3 =	simm.s32 $0x108;
	s8 =	sld [smem:$0x3FB6]  }
0x2e: {  	s3 =	simm.s32 @!p0 $0x1082;
	s9 =	sld [smem:$0x3FB7]  }
0x2f: {  	lr =	sadd.s32 s0, s3;
	s0 =	sld [smem:$0x3FAE]  }
0x30: {  	s3 =	sld [smem:$0x3FB1]  }
0x31: {  	[smem:$0x3FBA] =	sst s10  }
0x32: {  	s10 =	sld [smem:$0x3FB8];
	_ =	sdelay $0x3  }
0x33: {  	p0 =	seq.s32 s10, $0x1;
	s10 =	sld [smem:$0x3FBA];
	_ =	sdelay $0x3  }
0x34: {  	[smem:$0x3FBA] =	sst s10  }
0x35: {  	s10 =	sld [smem:$0x3FB9];
	_ =	sdelay $0x3  }
0x36: {  	p1 =	seq.s32 s10, $0x1;
	s10 =	sld [smem:$0x3FBA];
	_ =	sdelay $0x3  }
0x37: {  	[smem:$0x3FBA] =	sst s10  }
0x38: {  	s10 =	sld [smem:$0x3FBB]  }
0x39: {  	_ = 	snop;
	(pc) =	sbr.ind lr, $3  }
0x3a: {  	_ = 	snop  }
0x3b: {  	_ = 	snop  }
0x3c: {  	p2 =	seq.s32 s10, $0x1;
	s10 =	sld [smem:$0x3FBA]  }
0x3d: {  	_ =	shalt  }
0x3e: {  	_ =	shalt  }
0x3f: {  	_ =	shalt  }
0x40: {  	_ =	shalt  }
0x41: {  	_ =	shalt  }
0x42: {  	_ =	shalt  }
0x43: {  	_ =	shalt  }
0x44: {  	_ =	shalt  }
0x45: {  	_ =	shalt  }
0x46: {  	_ =	shalt  }
0x47: {  	_ =	shalt  }
0x48: {  	_ =	shalt  }
0x49: {  	_ =	shalt  }
0x4a: {  	_ =	shalt  }
0x4b: {  	_ =	shalt  }
0x4c: {  	_ =	shalt  }
0x4d: {  	_ =	shalt  }
0x4e: {  	_ =	shalt  }
0x4f: {  	_ =	shalt  }
0x50: {  	_ =	shalt  }
0x51: {  	_ =	shalt  }
0x52: {  	_ =	shalt  }
0x53: {  	_ =	shalt  }
0x54: {  	_ =	shalt  }
0x55: {  	_ =	shalt  }
0x56: {  	_ =	shalt  }
0x57: {  	_ =	shalt  }
0x58: {  	_ =	shalt  }
0x59: {  	_ =	shalt  }
0x5a: {  	_ =	shalt  }
0x5b: {  	_ =	shalt  }
0x5c: {  	_ =	shalt  }
0x5d: {  	_ =	shalt  }
0x5e: {  	_ =	shalt  }
0x5f: {  	_ =	shalt  }
0x60: {  	_ =	shalt  }
0x61: {  	_ =	shalt  }
0x62: {  	_ =	shalt  }
0x63: {  	_ =	shalt  }
0x64: {  	_ =	shalt  }
0x65: {  	_ =	shalt  }
0x66: {  	_ =	shalt  }
0x67: {  	_ =	shalt  }
0x68: {  	_ =	shalt  }
0x69: {  	_ =	shalt  }
0x6a: {  	_ =	shalt  }
0x6b: {  	_ =	shalt  }
0x6c: {  	_ =	shalt  }
0x6d: {  	_ =	shalt  }
0x6e: {  	_ =	shalt  }
0x6f: {  	_ =	shalt  }
0x70: {  	_ =	shalt  }
0x71: {  	_ =	shalt  }
0x72: {  	_ =	shalt  }
0x73: {  	_ =	shalt  }
0x74: {  	_ =	shalt  }
0x75: {  	_ =	shalt  }
0x76: {  	_ =	shalt  }
0x77: {  	_ =	shalt  }
0x78: {  	_ =	shalt  }
0x79: {  	_ =	shalt  }
0x7a: {  	_ =	shalt  }
0x7b: {  	_ =	shalt  }
0x7c: {  	_ =	shalt  }
0x7d: {  	_ =	shalt  }
0x7e: {  	_ =	shalt  }
0x7f: {  	_ =	shalt  }
0x80: {  	_ =	shalt  }
0x81: {  	_ =	shalt  }
0x82: {  	_ =	shalt  }
0x83: {  	_ =	shalt  }
0x84: {  	_ =	shalt  }
0x85: {  	_ =	shalt  }
0x86: {  	_ =	shalt  }
0x87: {  	_ =	shalt  }
.Lfunc_end0:
.L_simem_size_0:
called_computation.1_lowered:
.L_overlay_start_0:
0x88: {  	s2 =	sld [smem:$0x3FD9]  }
0x89: {  	s3 =	sld [smem:$0x3FFE];
	_ =	sdelay $0x1  }
0x8a: {  	s1 =	srdreg.scid  }
0x8b: {  	s0 =	sand.u32 $0x1, s1  }
0x8c: {  	s17 =	sshll.u32 s0, $0xA;
	s2 =	sadd.s32 s3, s2  }
0x8d: {  	s2 =	sadd.s32 s2, s17  }
0x8e: {  	[smem:$0x3FC6] =	sst s2  }
0x8f: {  	_ = 	snop  }
0x90: {  	s2 =	sld [smem:$0x3FC9]  }
0x91: {  	s18 =	sld [smem:$0x3FD0];
	(tm) =	ssettm $0x1  }
0x92: {  	s4 =	sld [smem:$0x3FFB];
	_ =	sdelay $0x3  }
0x93: {  	_ =	strace s4  }
0x94: {  	s4 =	sld [smem:$0x3FFC];
	_ =	sdelay $0x3  }
0x95: {  	_ =	strace s4  }
0x96: {  	s4 =	sld [smem:$0x3FFD];
	_ =	sdelay $0x3  }
0x97: {  	_ =	strace s4  }
0x98: {  	_ =	strace $0x8FFFFFFF  }
0x99: {  	s19 =	sld [smem:$0x3FDB];
	_ =	sdelay $0x1  }
0x9a: {  	s5 =	simm.s32 $_scs_section_size  }
0x9b: {  	s6 =	simm.s32 $_size__tile_overlayer_lowered;
	s7 =	simm.s32 $_tile_overlayer_lowered  }
0x9c: {  	s22 =	simm.s32 $0x1BFF;
	s21 =	sshll.u32 s7, $0x1;
	s4 =	sadd.s32 s5, s19  }
0x9d: {  	s8 =	simm.s32 $0x0;
	s20 =	sshll.u32 s6, $0x1;
	s6 =	sadd.s32 s21, s4  }
0x9e: {  	[timem:s8], [sflag:s22] =	dma.local [hbm:s6], s20  }
0x9f: {  	_ =	swait.ge [sflag:s22], s20  }
0xa0: {  	s5 =	ssub.s32 $0x0, s20;
	[sflag:s22] =	ssyncset.done $0x0  }
0xa1: {  	[sflag:s22] =	ssyncadd.s32 s5;
	_ =	sdelay $0x1  }
0xa2: {  	s23 =	simm.s32 $0x1B8B  }
0xa3: {  	_ =	swait.ge [sflag:s23], $0x1  }
0xa4: {  	[sflag:s23] =	ssyncset.done $0x0  }
0xa5: {  	s25 =	simm.s32 $0x1B8E;
	s24 =	sld [smem:$0x3FFE];
	[sflag:s23] =	ssyncadd.s32 $0xFFFFFFFF  }
0xa6: {  	s26 =	simm.s32 $execute0_lowered;
	[smem:$0x3FD2] =	sst s25  }
0xa7: {  	s6 =	sshll.u32 s26, $0x1;
	_ =	strace $0x80000049;
	[dreg:$0x1] =	wrdreg $0xFFFFFFFF  }
0xa8: {  	s28 =	simm.s32 $_size_execute0_lowered;
	s4 =	sadd.s32 s4, s6;
	[dreg:$0x0] =	wrdreg $0x0  }
0xa9: {  	s6 =	sshll.u32 s28, $0x1;
	[dreg:$0x2] =	wrdreg s4  }
0xaa: {  	[dreg:$0x3] =	wrdreg s6  }
0xab: {  	[dreg:$0x4] =	wrdreg $0xC0  }
0xac: {  	_ =	task [dreg:s8], $0x5FFFF  }
0xad: {  	[dreg:$0x1] =	wrdreg $0xFFFFFFFF  }
0xae: {  	[dreg:$0x0] =	wrdreg $0x60  }
0xaf: {  	[dreg:$0x2] =	wrdreg s2  }
0xb0: {  	[dreg:$0x3] =	wrdreg s24  }
0xb1: {  	[dreg:$0x4] =	wrdreg s18  }
0xb2: {  	[dreg:$0x5] =	wrdreg $0x9  }
0xb3: {  	_ =	task.clear_ibuf [dreg:s8], $0x6FFFF;
	_ =	strace $0x90000049  }
0xb4: {  	s29 =	simm.s32 $0x9;
	_ =	strace $0x8000004B  }
0xb5: {  	_ =	swait.ge [sflag:s29], $0x1  }
0xb6: {  	[sflag:s29] =	ssyncadd.s32 $0xFFFFFFFF  }
0xb7: {  	_ =	strace $0x9000004B  }
0xb8: {  	_ =	sfence  }
0xb9: {  	s30 =	sld [smem:$0x0];
	_ =	sdelay $0x2  }
0xba: {  	s31 =	sshll.u32 s1, $0xD;
	s1 =	sshrl.u32 s1, $0x2  }
0xbb: {  	s3 =	sand.u32 $0x4000, s31;
	s1 =	sadd.s32 s1, s30  }
0xbc: {  	s0 =	sor.u32 s3, s0;
	s1 =	sshll.u32 s1, $0x11  }
0xbd: {  	s0 =	sor.u32 s1, s0  }
0xbe: {  	s0 =	sadd.s32 $0x8F2B, s0  }
0xbf: {  	[sflag:s0] =	ssyncadd.remote.s32 $0x1  }
0xc0: {  	_ =	sfence.sel $0xFFFF  }
0xc1: {  	[dreg:$0x0] =	wrdreg $0xFFFFFFFF;
	(pc) =	sbr.abs _section_cstart, $3  }
0xc2: {  	[dreg:$0x1] =	wrdreg $0xFFFFFFFF  }
0xc3: {  	_ =	task.clear_ibuf [dreg:s8], $0x2FFFF;
	_ =	strace $0x9FFFFFFF  }
0xc4: {  	(tm) =	ssettm $0x7FFFFFFF  }
0xc5: {  	_ =	shalt  }
tec
execute0_lowered:
.L_overlay_start_1:
0x0: {  	(tag) =	ssettag $0x1  }
0x1: {  	s1 =	rddreg [dreg:$0x0]  }
0x2: {  	s4 =	rddreg [dreg:$0x1]  }
0x3: {  	s2 =	rddreg [dreg:$0x2]  }
0x4: {  	s0 =	rddreg [dreg:$0x3]  }
0x5: {  	s3 =	simm.s32 $0x0;
	s5 =	srdreg.scid;
	s9 =	simm.s32 $0x8000  }
0x6: {  	s10 =	simm.s32 $0xA000;
	s11 =	simm.s32 $0x0;
	s6 =	sand.u32 $0x1, s5  }
0x7: {  	v0 =	vlaneseq.u32;
	[smem:$0x7FF] =	sst s3;
	s5 =	sadd.s32 $0x400, s4;
	s7 =	ssub.s32 $0x2, s6  }
0x8: {  	s4 =	stileid.u32;
	v1 =	vand.u32 $0x3, v0;
	_ =	strace $0x8000004A;
	s8 =	sshrl.u32 s7, $0x1  }
0x9: {  	v2 =	vimm.s32 $0xF;
	v0 =	vshrl.u32 v0, $0x2;
	s31 =	sshll.u32 s4, $0x5;
	s6 =	sshll.u32 s6, $0x4;
	v1 =	vmul.u32 $0x8, v1;
	s7 =	ssub.s32 s7, s8  }
0xa: {  	v3 =	vor.u32 $0x4, v0;
	v4 =	vor.u32 $0x8, v0;
	v5 =	vor.u32 $0xC, v0;
	s6 =	sor.u32 s6, s31;
	s8 =	simm.s32 $0x1;
	s7 =	smax.u32 s7, $0x1  }
.LBB2_1:
0xb: {  	s12 =	simm.s32 $0x0  }
.LBB2_2:
0xc: {  	s15 =	sadd.s32 s6, s12  }
0xd: {  	s13 =	sshll.u32 s15, $0xC  }
0xe: {  	s14 =	simm.s32 $0x0;
	s16 =	sadd.s32 s1, s13  }
0xf: {  	[tilespmem:s14], [sflag:$0x1] =	stream.linear.gather [hbm4b:s16+s14], $0x8000, $0x38;
	[tilespmem:$0x12000] =	vst v63  }
0x10: {  	_ =	swait.ge [sflag:s8], $0x8000  }
0x11: {  	s15 =	sshll.u32 s15, $0xA;
	[sflag:s8] =	ssyncset.done $0x0  }
0x12: {  	s15 =	sadd.s32 s5, s15;
	[sflag:s8] =	ssyncadd.s32 $0xFFFF8000  }
0x13: {  	[tilespmem:s9], [sflag:$0x1] =	stream.linear.gather [hbm4b:s15+s14], $0x2000, $0x38;
	[tilespmem:$0x12000] =	vst v63  }
0x14: {  	v6 =	vimm.f32 $0.0e+00;
	v8 =	vimm.f32 $0.0e+00;
	_ =	swait.ge [sflag:s8], $0x2000  }
0x15: {  	p0 =	por $0x0, $0x0;
	v10 =	vimm.f32 $0.0e+00;
	v12 =	vimm.f32 $0.0e+00;
	v13 =	vimm.f32 $0.0e+00;
	s17 =	simm.s32 $0x0;
	[sflag:s8] =	ssyncset.done $0x0  }
0x16: {  	v11 =	vimm.f32 $0.0e+00;
	v9 =	vimm.f32 $0.0e+00;
	v7 =	vimm.f32 $0.0e+00;
	s16 =	simm.s32 $0x0;
	s15 =	simm.s32 $0x0;
	[sflag:s8] =	ssyncadd.s32 $0xFFFFE000  }
.LBB2_3:
0x17: {  	s18 =	sand.u32 $0x70, s14;
	s19 =	sand.u32 $0x1C00, s15  }
0x18: {  	s18 =	sor.u32 s18, s19  }
0x19: {  	v14 =	vld [tilespmem:s18+$0x8000];
	_ =	sdelay $0x3  }
0x1a: {  	s23 =	sand.u32 $0x40, s16;
	s20 =	sand.u32 $0x7C00, s17  }
0x1b: {  	s19 =	sor.u32 s23, s20;
	v15 =	vperm.xlane v14, v0  }
0x1c: {  	v16 =	vld [tilespmem:s19+$0x0]  }
0x1d: {  	v15 =	vshrl.u32 v15, v1  }
0x1e: {  	v15 =	vand.u32 $0x1, v15  }
0x1f: {  	v17 =	vperm.xlane v14, v3;
	v15 =	vcvt.s32.f32 v15  }
0x20: {  	v18 =	vld [tilespmem:s19+$0x10]  }
0x21: {  	v23 =	vshrl.u32 v17, v1;
	v15 =	vmul.f32 v15, v16  }
0x22: {  	v16 =	vand.u32 $0x1, v23  }
0x23: {  	v24 =	vperm.xlane v14, v4;
	(xrf2) =	vadd.scan.msk.f32 $0xffff, v15;
	v15 =	vcvt.s32.f32 v16  }
0x24: {  	v25 =	vld [tilespmem:s19+$0x20]  }
0x25: {  	v16 =	vshrl.u32 v24, v1;
	v15 =	vmul.f32 v15, v18  }
0x26: {  	v16 =	vand.u32 $0x1, v16  }
0x27: {  	v14 =	vperm.xlane v14, v5;
	(xrf2) =	vadd.scan.msk.f32 $0xffff, v15;
	v15 =	vcvt.s32.f32 v16  }
0x28: {  	v26 =	vld [tilespmem:s19+$0x30]  }
0x29: {  	v14 =	vshrl.u32 v14, v1;
	v15 =	vmul.f32 v15, v25  }
0x2a: {  	v14 =	vand.u32 $0x1, v14  }
0x2b: {  	v14 =	vcvt.s32.f32 v14;
	(xrf2) =	vadd.scan.msk.f32 $0xffff, v15;
	_ =	sdelay $0x1  }
0x2c: {  	v14 =	vmul.f32 v14, v26;
	v15, _, _ =	vpop (xrf2)  }
0x2d: {  	v7 =	vadd.f32 v15, v7  }
0x2e: {  	(xrf2) =	vadd.scan.msk.f32 $0xffff, v14  }
0x2f: {  	v14 =	vperm.xlane v7, v2  }
0x30: {  	v15, _, _ =	vpop (xrf2)  }
0x31: {  	v14 =	vadd.f32 v15, v14;
	_ =	sdelay $0x1  }
0x32: {  	v15 =	vperm.xlane v14, v2  }
0x33: {  	v27, _, _ =	vpop (xrf2)  }
0x34: {  	v15 =	vadd.f32 v27, v15;
	_ =	sdelay $0x1  }
0x35: {  	v16 =	vperm.xlane v15, v2  }
0x36: {  	[tilespmem:s19+$0xA000] =	vst v7;
	v7, _, _ =	vpop (xrf2)  }
0x37: {  	[tilespmem:s19+$0xA010] =	vst v14;
	v7 =	vadd.f32 v7, v16  }
0x38: {  	[tilespmem:s19+$0xA020] =	vst v15  }
0x39: {  	[tilespmem:s19+$0xA030] =	vst v7  }
0x3a: {  	v14 =	vld [tilespmem:s18+$0x8080];
	_ =	sdelay $0x4  }
0x3b: {  	v15 =	vperm.xlane v14, v0  }
0x3c: {  	v28 =	vld [tilespmem:s19+$0x80]  }
0x3d: {  	v15 =	vshrl.u32 v15, v1  }
0x3e: {  	v15 =	vand.u32 $0x1, v15  }
0x3f: {  	v29 =	vperm.xlane v14, v3;
	v15 =	vcvt.s32.f32 v15  }
0x40: {  	v30 =	vld [tilespmem:s19+$0x90]  }
0x41: {  	v31 =	vshrl.u32 v29, v1;
	v15 =	vmul.f32 v15, v28  }
0x42: {  	v16 =	vand.u32 $0x1, v31  }
0x43: {  	v32 =	vperm.xlane v14, v4;
	(xrf2) =	vadd.scan.msk.f32 $0xffff, v15;
	v15 =	vcvt.s32.f32 v16  }
0x44: {  	v33 =	vld [tilespmem:s19+$0xA0]  }
0x45: {  	v16 =	vshrl.u32 v32, v1;
	v15 =	vmul.f32 v15, v30  }
0x46: {  	v16 =	vand.u32 $0x1, v16  }
0x47: {  	v14 =	vperm.xlane v14, v5;
	(xrf2) =	vadd.scan.msk.f32 $0xffff, v15;
	v15 =	vcvt.s32.f32 v16  }
0x48: {  	v34 =	vld [tilespmem:s19+$0xB0]  }
0x49: {  	v14 =	vshrl.u32 v14, v1;
	v15 =	vmul.f32 v15, v33  }
0x4a: {  	v14 =	vand.u32 $0x1, v14  }
0x4b: {  	v14 =	vcvt.s32.f32 v14;
	(xrf2) =	vadd.scan.msk.f32 $0xffff, v15;
	_ =	sdelay $0x1  }
0x4c: {  	v14 =	vmul.f32 v14, v34;
	v15, _, _ =	vpop (xrf2)  }
0x4d: {  	v9 =	vadd.f32 v15, v9  }
0x4e: {  	(xrf2) =	vadd.scan.msk.f32 $0xffff, v14  }
0x4f: {  	v14 =	vperm.xlane v9, v2  }
0x50: {  	v15, _, _ =	vpop (xrf2)  }
0x51: {  	v14 =	vadd.f32 v15, v14;
	_ =	sdelay $0x1  }
0x52: {  	v15 =	vperm.xlane v14, v2  }
0x53: {  	v35, _, _ =	vpop (xrf2)  }
0x54: {  	v15 =	vadd.f32 v35, v15;
	_ =	sdelay $0x1  }
0x55: {  	v16 =	vperm.xlane v15, v2  }
0x56: {  	[tilespmem:s19+$0xA080] =	vst v9;
	v9, _, _ =	vpop (xrf2)  }
0x57: {  	[tilespmem:s19+$0xA090] =	vst v14;
	v9 =	vadd.f32 v9, v16  }
0x58: {  	[tilespmem:s19+$0xA0A0] =	vst v15  }
0x59: {  	[tilespmem:s19+$0xA0B0] =	vst v9  }
0x5a: {  	v14 =	vld [tilespmem:s18+$0x8100];
	_ =	sdelay $0x4  }
0x5b: {  	v15 =	vperm.xlane v14, v0  }
0x5c: {  	v36 =	vld [tilespmem:s19+$0x100]  }
0x5d: {  	v15 =	vshrl.u32 v15, v1  }
0x5e: {  	v15 =	vand.u32 $0x1, v15  }
0x5f: {  	v37 =	vperm.xlane v14, v3;
	v15 =	vcvt.s32.f32 v15  }
0x60: {  	v38 =	vld [tilespmem:s19+$0x110]  }
0x61: {  	v39 =	vshrl.u32 v37, v1;
	v15 =	vmul.f32 v15, v36  }
0x62: {  	v16 =	vand.u32 $0x1, v39  }
0x63: {  	v40 =	vperm.xlane v14, v4;
	(xrf2) =	vadd.scan.msk.f32 $0xffff, v15;
	v15 =	vcvt.s32.f32 v16  }
0x64: {  	v41 =	vld [tilespmem:s19+$0x120]  }
0x65: {  	v16 =	vshrl.u32 v40, v1;
	v15 =	vmul.f32 v15, v38  }
0x66: {  	v16 =	vand.u32 $0x1, v16  }
0x67: {  	v14 =	vperm.xlane v14, v5;
	(xrf2) =	vadd.scan.msk.f32 $0xffff, v15;
	v15 =	vcvt.s32.f32 v16  }
0x68: {  	v42 =	vld [tilespmem:s19+$0x130]  }
0x69: {  	v14 =	vshrl.u32 v14, v1;
	v15 =	vmul.f32 v15, v41  }
0x6a: {  	v14 =	vand.u32 $0x1, v14  }
0x6b: {  	v14 =	vcvt.s32.f32 v14;
	(xrf2) =	vadd.scan.msk.f32 $0xffff, v15;
	_ =	sdelay $0x1  }
0x6c: {  	v14 =	vmul.f32 v14, v42;
	v15, _, _ =	vpop (xrf2)  }
0x6d: {  	v11 =	vadd.f32 v15, v11  }
0x6e: {  	(xrf2) =	vadd.scan.msk.f32 $0xffff, v14  }
0x6f: {  	v14 =	vperm.xlane v11, v2  }
0x70: {  	v15, _, _ =	vpop (xrf2)  }
0x71: {  	v14 =	vadd.f32 v15, v14;
	_ =	sdelay $0x1  }
0x72: {  	v15 =	vperm.xlane v14, v2  }
0x73: {  	v43, _, _ =	vpop (xrf2)  }
0x74: {  	v15 =	vadd.f32 v43, v15;
	_ =	sdelay $0x1  }
0x75: {  	v16 =	vperm.xlane v15, v2  }
0x76: {  	[tilespmem:s19+$0xA100] =	vst v11;
	v11, _, _ =	vpop (xrf2)  }
0x77: {  	[tilespmem:s19+$0xA110] =	vst v14;
	v11 =	vadd.f32 v11, v16  }
0x78: {  	[tilespmem:s19+$0xA120] =	vst v15  }
0x79: {  	[tilespmem:s19+$0xA130] =	vst v11  }
0x7a: {  	v14 =	vld [tilespmem:s18+$0x8180];
	_ =	sdelay $0x4  }
0x7b: {  	v15 =	vperm.xlane v14, v0  }
0x7c: {  	v44 =	vld [tilespmem:s19+$0x180]  }
0x7d: {  	v15 =	vshrl.u32 v15, v1  }
0x7e: {  	v15 =	vand.u32 $0x1, v15  }
0x7f: {  	v45 =	vperm.xlane v14, v3;
	v15 =	vcvt.s32.f32 v15  }
0x80: {  	v46 =	vld [tilespmem:s19+$0x190]  }
0x81: {  	v47 =	vshrl.u32 v45, v1;
	v15 =	vmul.f32 v15, v44  }
0x82: {  	v16 =	vand.u32 $0x1, v47  }
0x83: {  	v48 =	vperm.xlane v14, v4;
	(xrf2) =	vadd.scan.msk.f32 $0xffff, v15;
	v15 =	vcvt.s32.f32 v16  }
0x84: {  	v49 =	vld [tilespmem:s19+$0x1A0]  }
0x85: {  	v16 =	vshrl.u32 v48, v1;
	v15 =	vmul.f32 v15, v46  }
0x86: {  	v16 =	vand.u32 $0x1, v16  }
0x87: {  	v14 =	vperm.xlane v14, v5;
	(xrf2) =	vadd.scan.msk.f32 $0xffff, v15;
	v15 =	vcvt.s32.f32 v16  }
0x88: {  	v50 =	vld [tilespmem:s19+$0x1B0]  }
0x89: {  	v14 =	vshrl.u32 v14, v1;
	v15 =	vmul.f32 v15, v49  }
0x8a: {  	v14 =	vand.u32 $0x1, v14  }
0x8b: {  	v14 =	vcvt.s32.f32 v14;
	(xrf2) =	vadd.scan.msk.f32 $0xffff, v15;
	_ =	sdelay $0x1  }
0x8c: {  	v14 =	vmul.f32 v14, v50;
	v15, _, _ =	vpop (xrf2)  }
0x8d: {  	v13 =	vadd.f32 v15, v13  }
0x8e: {  	(xrf2) =	vadd.scan.msk.f32 $0xffff, v14  }
0x8f: {  	v14 =	vperm.xlane v13, v2  }
0x90: {  	v15, _, _ =	vpop (xrf2)  }
0x91: {  	v14 =	vadd.f32 v15, v14;
	_ =	sdelay $0x1  }
0x92: {  	v15 =	vperm.xlane v14, v2  }
0x93: {  	v51, _, _ =	vpop (xrf2)  }
0x94: {  	v15 =	vadd.f32 v51, v15;
	_ =	sdelay $0x1  }
0x95: {  	v16 =	vperm.xlane v15, v2  }
0x96: {  	[tilespmem:s19+$0xA180] =	vst v13;
	v13, _, _ =	vpop (xrf2)  }
0x97: {  	[tilespmem:s19+$0xA190] =	vst v14;
	v13 =	vadd.f32 v13, v16  }
0x98: {  	[tilespmem:s19+$0xA1A0] =	vst v15  }
0x99: {  	[tilespmem:s19+$0xA1B0] =	vst v13  }
0x9a: {  	v14 =	vld [tilespmem:s18+$0x8200]  }
0x9b: {  	s19 =	simm.s32 $0x1  }
0x9c: {  	s19 =	simm.s32 @!p0 $0x0  }
0x9d: {  	s19 =	sshll.u32 s19, $0x6  }
0x9e: {  	s19 =	sadd.s32 s19, s17  }
0x9f: {  	s21 =	sor.u32 $0x200, s19;
	v15 =	vperm.xlane v14, v0  }
0xa0: {  	v52 =	vld [tilespmem:s21+$0x0]  }
0xa1: {  	v15 =	vshrl.u32 v15, v1  }
0xa2: {  	v15 =	vand.u32 $0x1, v15  }
0xa3: {  	v15 =	vcvt.s32.f32 v15;
	_ =	sdelay $0x1  }
0xa4: {  	v15 =	vmul.f32 v15, v52;
	_ =	sdelay $0x1  }
0xa5: {  	(xrf2) =	vadd.scan.msk.f32 $0xffff, v15;
	_ =	sdelay $0x9  }
0xa6: {  	v15, _, _ =	vpop (xrf2)  }
0xa7: {  	v12 =	vadd.f32 v15, v12  }
0xa8: {  	s20 =	sadd.s32 $0x10, s19  }
0xa9: {  	s22 =	sor.u32 $0x200, s20;
	v15 =	vperm.xlane v14, v3;
	[tilespmem:s21+$0xA000] =	vst v12  }
0xaa: {  	v53 =	vld [tilespmem:s22+$0x0]  }
0xab: {  	v15 =	vshrl.u32 v15, v1  }
0xac: {  	v15 =	vand.u32 $0x1, v15  }
0xad: {  	v15 =	vcvt.s32.f32 v15;
	_ =	sdelay $0x1  }
0xae: {  	v15 =	vmul.f32 v15, v53;
	_ =	sdelay $0x1  }
0xaf: {  	(xrf2) =	vadd.scan.msk.f32 $0xffff, v15;
	_ =	sdelay $0x8  }
0xb0: {  	v12 =	vperm.xlane v12, v2  }
0xb1: {  	v15, _, _ =	vpop (xrf2)  }
0xb2: {  	v12 =	vadd.f32 v15, v12  }
0xb3: {  	s21 =	sadd.s32 $0x20, s19  }
0xb4: {  	s23 =	sor.u32 $0x200, s21;
	v15 =	vperm.xlane v14, v4;
	[tilespmem:s22+$0xA000] =	vst v12  }
0xb5: {  	v54 =	vld [tilespmem:s23+$0x0]  }
0xb6: {  	v15 =	vshrl.u32 v15, v1  }
0xb7: {  	v15 =	vand.u32 $0x1, v15  }
0xb8: {  	v15 =	vcvt.s32.f32 v15;
	_ =	sdelay $0x1  }
0xb9: {  	v15 =	vmul.f32 v15, v54;
	_ =	sdelay $0x1  }
0xba: {  	(xrf2) =	vadd.scan.msk.f32 $0xffff, v15;
	_ =	sdelay $0x8  }
0xbb: {  	v12 =	vperm.xlane v12, v2  }
0xbc: {  	v15, _, _ =	vpop (xrf2)  }
0xbd: {  	v12 =	vadd.f32 v15, v12  }
0xbe: {  	s22 =	sadd.s32 $0x30, s19  }
0xbf: {  	v14 =	vperm.xlane v14, v5;
	s24 =	sor.u32 $0x200, s22;
	[tilespmem:s23+$0xA000] =	vst v12  }
0xc0: {  	v15 =	vld [tilespmem:s24+$0x0]  }
0xc1: {  	v14 =	vshrl.u32 v14, v1  }
0xc2: {  	v14 =	vand.u32 $0x1, v14  }
0xc3: {  	v14 =	vcvt.s32.f32 v14;
	_ =	sdelay $0x1  }
0xc4: {  	v14 =	vmul.f32 v14, v15;
	_ =	sdelay $0x1  }
0xc5: {  	(xrf2) =	vadd.scan.msk.f32 $0xffff, v14;
	_ =	sdelay $0x8  }
0xc6: {  	v12 =	vperm.xlane v12, v2  }
0xc7: {  	v14, _, _ =	vpop (xrf2)  }
0xc8: {  	v12 =	vadd.f32 v14, v12;
	_ =	sdelay $0x1  }
0xc9: {  	[tilespmem:s24+$0xA000] =	vst v12  }
0xca: {  	v14 =	vld [tilespmem:s18+$0x8280];
	_ =	sdelay $0x4  }
0xcb: {  	s25 =	sor.u32 $0x280, s19;
	v15 =	vperm.xlane v14, v0  }
0xcc: {  	v55 =	vld [tilespmem:s25+$0x0]  }
0xcd: {  	v15 =	vshrl.u32 v15, v1  }
0xce: {  	v15 =	vand.u32 $0x1, v15  }
0xcf: {  	v15 =	vcvt.s32.f32 v15;
	_ =	sdelay $0x1  }
0xd0: {  	v15 =	vmul.f32 v15, v55;
	_ =	sdelay $0x1  }
0xd1: {  	(xrf2) =	vadd.scan.msk.f32 $0xffff, v15;
	_ =	sdelay $0x9  }
0xd2: {  	v15, _, _ =	vpop (xrf2)  }
0xd3: {  	v10 =	vadd.f32 v15, v10;
	_ =	sdelay $0x1  }
0xd4: {  	s26 =	sor.u32 $0x280, s20;
	v15 =	vperm.xlane v14, v3;
	[tilespmem:s25+$0xA000] =	vst v10  }
0xd5: {  	v56 =	vld [tilespmem:s26+$0x0]  }
0xd6: {  	v15 =	vshrl.u32 v15, v1  }
0xd7: {  	v15 =	vand.u32 $0x1, v15  }
0xd8: {  	v15 =	vcvt.s32.f32 v15;
	_ =	sdelay $0x1  }
0xd9: {  	v15 =	vmul.f32 v15, v56;
	_ =	sdelay $0x1  }
0xda: {  	(xrf2) =	vadd.scan.msk.f32 $0xffff, v15;
	_ =	sdelay $0x8  }
0xdb: {  	v10 =	vperm.xlane v10, v2  }
0xdc: {  	v15, _, _ =	vpop (xrf2)  }
0xdd: {  	v10 =	vadd.f32 v15, v10;
	_ =	sdelay $0x1  }
0xde: {  	s28 =	sor.u32 $0x280, s21;
	v15 =	vperm.xlane v14, v4;
	[tilespmem:s26+$0xA000] =	vst v10  }
0xdf: {  	v57 =	vld [tilespmem:s28+$0x0]  }
0xe0: {  	v15 =	vshrl.u32 v15, v1  }
0xe1: {  	v15 =	vand.u32 $0x1, v15  }
0xe2: {  	v15 =	vcvt.s32.f32 v15;
	_ =	sdelay $0x1  }
0xe3: {  	v15 =	vmul.f32 v15, v57;
	_ =	sdelay $0x1  }
0xe4: {  	(xrf2) =	vadd.scan.msk.f32 $0xffff, v15;
	_ =	sdelay $0x8  }
0xe5: {  	v10 =	vperm.xlane v10, v2  }
0xe6: {  	v15, _, _ =	vpop (xrf2)  }
0xe7: {  	v10 =	vadd.f32 v15, v10;
	_ =	sdelay $0x1  }
0xe8: {  	s29 =	sor.u32 $0x280, s22;
	v14 =	vperm.xlane v14, v5;
	[tilespmem:s28+$0xA000] =	vst v10  }
0xe9: {  	v15 =	vld [tilespmem:s29+$0x0]  }
0xea: {  	v14 =	vshrl.u32 v14, v1  }
0xeb: {  	v14 =	vand.u32 $0x1, v14  }
0xec: {  	v14 =	vcvt.s32.f32 v14;
	_ =	sdelay $0x1  }
0xed: {  	v14 =	vmul.f32 v14, v15;
	_ =	sdelay $0x1  }
0xee: {  	(xrf2) =	vadd.scan.msk.f32 $0xffff, v14;
	_ =	sdelay $0x8  }
0xef: {  	v10 =	vperm.xlane v10, v2  }
0xf0: {  	v14, _, _ =	vpop (xrf2)  }
0xf1: {  	v10 =	vadd.f32 v14, v10;
	_ =	sdelay $0x1  }
0xf2: {  	[tilespmem:s29+$0xA000] =	vst v10  }
0xf3: {  	v14 =	vld [tilespmem:s18+$0x8300];
	_ =	sdelay $0x4  }
0xf4: {  	s30 =	sor.u32 $0x300, s19;
	v15 =	vperm.xlane v14, v0  }
0xf5: {  	v58 =	vld [tilespmem:s30+$0x0]  }
0xf6: {  	v15 =	vshrl.u32 v15, v1  }
0xf7: {  	v15 =	vand.u32 $0x1, v15  }
0xf8: {  	v15 =	vcvt.s32.f32 v15;
	_ =	sdelay $0x1  }
0xf9: {  	v15 =	vmul.f32 v15, v58;
	_ =	sdelay $0x1  }
0xfa: {  	(xrf2) =	vadd.scan.msk.f32 $0xffff, v15;
	_ =	sdelay $0x9  }
0xfb: {  	v15, _, _ =	vpop (xrf2)  }
0xfc: {  	v8 =	vadd.f32 v15, v8;
	_ =	sdelay $0x1  }
0xfd: {  	s31 =	sor.u32 $0x300, s20;
	v15 =	vperm.xlane v14, v3;
	[tilespmem:s30+$0xA000] =	vst v8  }
0xfe: {  	v59 =	vld [tilespmem:s31+$0x0]  }
0xff: {  	v15 =	vshrl.u32 v15, v1  }
0x100: {  	v15 =	vand.u32 $0x1, v15  }
0x101: {  	v15 =	vcvt.s32.f32 v15;
	_ =	sdelay $0x1  }
0x102: {  	v15 =	vmul.f32 v15, v59;
	_ =	sdelay $0x1  }
0x103: {  	(xrf2) =	vadd.scan.msk.f32 $0xffff, v15;
	_ =	sdelay $0x8  }
0x104: {  	v8 =	vperm.xlane v8, v2  }
0x105: {  	v15, _, _ =	vpop (xrf2)  }
0x106: {  	v8 =	vadd.f32 v15, v8;
	_ =	sdelay $0x1  }
0x107: {  	s23 =	sor.u32 $0x300, s21;
	v15 =	vperm.xlane v14, v4;
	[tilespmem:s31+$0xA000] =	vst v8  }
0x108: {  	v60 =	vld [tilespmem:s23+$0x0]  }
0x109: {  	v15 =	vshrl.u32 v15, v1  }
0x10a: {  	v15 =	vand.u32 $0x1, v15  }
0x10b: {  	v15 =	vcvt.s32.f32 v15;
	_ =	sdelay $0x1  }
0x10c: {  	v15 =	vmul.f32 v15, v60;
	_ =	sdelay $0x1  }
0x10d: {  	(xrf2) =	vadd.scan.msk.f32 $0xffff, v15;
	_ =	sdelay $0x8  }
0x10e: {  	v8 =	vperm.xlane v8, v2  }
0x10f: {  	v15, _, _ =	vpop (xrf2)  }
0x110: {  	v8 =	vadd.f32 v15, v8;
	_ =	sdelay $0x1  }
0x111: {  	s24 =	sor.u32 $0x300, s22;
	v14 =	vperm.xlane v14, v5;
	[tilespmem:s23+$0xA000] =	vst v8  }
0x112: {  	v15 =	vld [tilespmem:s24+$0x0]  }
0x113: {  	v14 =	vshrl.u32 v14, v1  }
0x114: {  	v14 =	vand.u32 $0x1, v14  }
0x115: {  	v14 =	vcvt.s32.f32 v14;
	_ =	sdelay $0x1  }
0x116: {  	v14 =	vmul.f32 v14, v15;
	_ =	sdelay $0x1  }
0x117: {  	(xrf2) =	vadd.scan.msk.f32 $0xffff, v14;
	_ =	sdelay $0x8  }
0x118: {  	v8 =	vperm.xlane v8, v2  }
0x119: {  	v14, _, _ =	vpop (xrf2)  }
0x11a: {  	v8 =	vadd.f32 v14, v8  }
0x11b: {  	s25 =	sor.u32 s15, s14  }
0x11c: {  	s26 =	sor.u32 $0x380, s25;
	[tilespmem:s24+$0xA000] =	vst v8  }
0x11d: {  	v14 =	vld [tilespmem:s26+$0x8000];
	_ =	sdelay $0x4  }
0x11e: {  	s28 =	sor.u32 $0x380, s19;
	v15 =	vperm.xlane v14, v0  }
0x11f: {  	v61 =	vld [tilespmem:s28+$0x0]  }
0x120: {  	v15 =	vshrl.u32 v15, v1  }
0x121: {  	v15 =	vand.u32 $0x1, v15  }
0x122: {  	v15 =	vcvt.s32.f32 v15;
	_ =	sdelay $0x1  }
0x123: {  	v15 =	vmul.f32 v15, v61;
	_ =	sdelay $0x1  }
0x124: {  	(xrf2) =	vadd.scan.msk.f32 $0xffff, v15;
	_ =	sdelay $0x9  }
0x125: {  	v15, _, _ =	vpop (xrf2)  }
0x126: {  	v6 =	vadd.f32 v15, v6;
	_ =	sdelay $0x1  }
0x127: {  	s29 =	sor.u32 $0x380, s20;
	v15 =	vperm.xlane v14, v3;
	[tilespmem:s28+$0xA000] =	vst v6  }
0x128: {  	v62 =	vld [tilespmem:s29+$0x0]  }
0x129: {  	v15 =	vshrl.u32 v15, v1  }
0x12a: {  	v15 =	vand.u32 $0x1, v15  }
0x12b: {  	v15 =	vcvt.s32.f32 v15;
	_ =	sdelay $0x1  }
0x12c: {  	v15 =	vmul.f32 v15, v62;
	_ =	sdelay $0x1  }
0x12d: {  	(xrf2) =	vadd.scan.msk.f32 $0xffff, v15;
	_ =	sdelay $0x8  }
0x12e: {  	v6 =	vperm.xlane v6, v2  }
0x12f: {  	v15, _, _ =	vpop (xrf2)  }
0x130: {  	v6 =	vadd.f32 v15, v6;
	_ =	sdelay $0x1  }
0x131: {  	s30 =	sor.u32 $0x380, s21;
	v15 =	vperm.xlane v14, v4;
	[tilespmem:s29+$0xA000] =	vst v6  }
0x132: {  	v63 =	vld [tilespmem:s30+$0x0]  }
0x133: {  	v15 =	vshrl.u32 v15, v1  }
0x134: {  	v15 =	vand.u32 $0x1, v15  }
0x135: {  	v15 =	vcvt.s32.f32 v15;
	_ =	sdelay $0x1  }
0x136: {  	v15 =	vmul.f32 v15, v63;
	_ =	sdelay $0x1  }
0x137: {  	(xrf2) =	vadd.scan.msk.f32 $0xffff, v15;
	_ =	sdelay $0x8  }
0x138: {  	v6 =	vperm.xlane v6, v2  }
0x139: {  	v15, _, _ =	vpop (xrf2)  }
0x13a: {  	v6 =	vadd.f32 v15, v6;
	_ =	sdelay $0x1  }
0x13b: {  	s31 =	sor.u32 $0x380, s22;
	v14 =	vperm.xlane v14, v5;
	[tilespmem:s30+$0xA000] =	vst v6  }
0x13c: {  	v15 =	vld [tilespmem:s31+$0x0]  }
0x13d: {  	v14 =	vshrl.u32 v14, v1  }
0x13e: {  	v14 =	vand.u32 $0x1, v14  }
0x13f: {  	v14 =	vcvt.s32.f32 v14;
	_ =	sdelay $0x1  }
0x140: {  	v14 =	vmul.f32 v14, v15;
	_ =	sdelay $0x1  }
0x141: {  	(xrf2) =	vadd.scan.msk.f32 $0xffff, v14;
	_ =	sdelay $0x7  }
0x142: {  	p1 =	sne.s32 s17, $0x7E00  }
.Ltmp0:
0x143: {  	v6 =	vperm.xlane v6, v2;
	(pc) =	sbr.rel @p1 .LBB2_3-.Ltmp0, $4  }
0x144: {  	v7 =	vperm.xlane v7, v2;
	v9 =	vperm.xlane v9, v2;
	v14, _, _ =	vpop (xrf2)  }
0x145: {  	v11 =	vperm.xlane v11, v2;
	v13 =	vperm.xlane v13, v2;
	v6 =	vadd.f32 v14, v6  }
0x146: {  	s16 =	sadd.s32 $0x40, s16;
	p0 =	por !p0, !p0;
	v12 =	vperm.xlane v12, v2;
	v10 =	vperm.xlane v10, v2  }
0x147: {  	s17 =	sadd.s32 $0x200, s17;
	s15 =	sadd.s32 $0x80, s15;
	s14 =	sadd.s32 $0x10, s14;
	v8 =	vperm.xlane v8, v2;
	[tilespmem:s31+$0xA000] =	vst v6;
	v6 =	vperm.xlane v6, v2  }
0x148: {  	s12 =	sadd.s32 $0x1, s12  }
0x149: {  	p0 =	sne.s32 s12, $0x10  }
.Ltmp1:
0x14a: {  	s13 =	sadd.s32 s2, s13;
	(pc) =	sbr.rel @p0 .LBB2_2-.Ltmp1, $4  }
0x14b: {  	[hbm4b:s13+s3] =	stream.linear.scatter [tilespmem:s10], [sflag:$0x1], $0x8000, $0x38;
	[tilespmem:$0x12000] =	vst v63  }
0x14c: {  	_ =	swait.ge [sflag:s8], $0x8000  }
0x14d: {  	[sflag:s8] =	ssyncset.done $0x0  }
0x14e: {  	[sflag:s8] =	ssyncadd.s32 $0xFFFF8000  }
0x14f: {  	s11 =	sadd.s32 $0x1, s11  }
0x150: {  	p0 =	sne.s32 s11, s7  }
.Ltmp2:
0x151: {  	_ = 	snop;
	(pc) =	sbr.rel @p0 .LBB2_1-.Ltmp2, $1  }
0x152: {  	_ =	sdelay $0x3  }
0x153: {  	_ =	sfence.sel $0x180000  }
0x154: {  	[bflag:$0x0] =	sbarrier.arrive $0xFFFF  }
0x155: {  	p0 =	sne.s32 s4, $0x0;
	_ =	strace $0x9000004A  }
0x156: {  	s0 =	sadd.s32 @!p0 $0x100000, s0;
	[bflag:$0x2] =	sbarrier.arrive $0xFFFF  }
0x157: {  	[sflag:s0] =	ssyncadd.tile.s32 @!p0 $0x1;
	_ =	shalt  }
.Lfunc_end2:
_tile_overlayer_lowered:
.L_overlay_start_2:
0x158: {  	(tag) =	ssettag $0x2  }
0x159: {  	s0 =	rddreg [dreg:$0x0];
	s2 =	stileid.u32  }
0x15a: {  	s1 =	rddreg [dreg:$0x1];
	p0 =	sne.s32 s2, $0x0  }
0x15b: {  	s3 =	rddreg [dreg:$0x2];
	[bflag:$0x3] =	sbarrier.arrive $0xFFFF;
	s2 =	simm.s32 @!p0 $0x1C01  }
0x15c: {  	[timem:s3], [sflag:s2] =	dma.local @!p0 [hbm:s0], s1  }
0x15d: {  	s0 =	simm.s32 @!p0 $0x1  }
0x15e: {  	_ =	swait.ge @!p0 [sflag:s0], s1  }
0x15f: {  	s1 =	ssub.s32 @!p0 $0x0, s1;
	[sflag:s0] =	ssyncset.done @!p0 $0x0  }
0x160: {  	[sflag:s0] =	ssyncadd.s32 @!p0 s1  }
0x161: {  	[bflag:$0x3] =	sbarrier.arrive $0xFFFF  }
0x162: {  	_ =	shalt  }

// kernel: sparse-core-data-format-call.cloned.1.call-start
scs
called_computation_lowered:
.L_overlay_start_0:
0x0: {  	s2 =	sld [smem:$0x3FD9]  }
0x1: {  	s3 =	sld [smem:$0x3FFE];
	_ =	sdelay $0x1  }
0x2: {  	s1 =	srdreg.scid  }
0x3: {  	s0 =	sand.u32 $0x1, s1  }
0x4: {  	s18 =	sshll.u32 s0, $0xA;
	s2 =	sadd.s32 s3, s2  }
0x5: {  	s2 =	sadd.s32 s2, s18  }
0x6: {  	[smem:$0x3FC6] =	sst s2  }
0x7: {  	_ = 	snop  }
0x8: {  	s2 =	sld [smem:$0x3FD0];
	(tm) =	ssettm $0x1  }
0x9: {  	s19 =	sld [smem:$0x3FFB];
	_ =	sdelay $0x3  }
0xa: {  	_ =	strace s19  }
0xb: {  	s3 =	sld [smem:$0x3FFC];
	_ =	sdelay $0x3  }
0xc: {  	_ =	strace s3  }
0xd: {  	s3 =	sld [smem:$0x3FFD];
	_ =	sdelay $0x3  }
0xe: {  	_ =	strace s3  }
0xf: {  	_ =	strace $0x8FFFFFFF  }
0x10: {  	s20 =	sld [smem:$0x3FDB];
	_ =	sdelay $0x1  }
0x11: {  	s4 =	simm.s32 $_scs_section_size  }
0x12: {  	s5 =	simm.s32 $_size__tile_overlayer_lowered;
	s6 =	simm.s32 $_tile_overlayer_lowered  }
0x13: {  	s23 =	simm.s32 $0x1BFF;
	s22 =	sshll.u32 s6, $0x1;
	s3 =	sadd.s32 s4, s20  }
0x14: {  	s7 =	simm.s32 $0x0;
	s21 =	sshll.u32 s5, $0x1;
	s5 =	sadd.s32 s22, s3  }
0x15: {  	[timem:s7], [sflag:s23] =	dma.local [hbm:s5], s21  }
0x16: {  	_ =	swait.ge [sflag:s23], s21  }
0x17: {  	s4 =	ssub.s32 $0x0, s21;
	[sflag:s23] =	ssyncset.done $0x0  }
0x18: {  	[sflag:s23] =	ssyncadd.s32 s4;
	_ =	sdelay $0x1  }
0x19: {  	s24 =	simm.s32 $0x1B8B  }
0x1a: {  	_ =	swait.ge [sflag:s24], $0x1  }
0x1b: {  	[sflag:s24] =	ssyncset.done $0x0  }
0x1c: {  	s26 =	simm.s32 $0x1B8E;
	s25 =	sld [smem:$0x3FFE];
	[sflag:s24] =	ssyncadd.s32 $0xFFFFFFFF  }
0x1d: {  	s27 =	simm.s32 $execute0_lowered;
	[smem:$0x3FD2] =	sst s26  }
0x1e: {  	s5 =	sshll.u32 s27, $0x1;
	_ =	strace $0x80000046;
	[dreg:$0x1] =	wrdreg $0xFFFFFFFF  }
0x1f: {  	s28 =	simm.s32 $_size_execute0_lowered;
	s3 =	sadd.s32 s3, s5;
	[dreg:$0x0] =	wrdreg $0x0  }
0x20: {  	s5 =	sshll.u32 s28, $0x1;
	[dreg:$0x2] =	wrdreg s3  }
0x21: {  	[dreg:$0x3] =	wrdreg s5  }
0x22: {  	[dreg:$0x4] =	wrdreg $0xC0  }
0x23: {  	_ =	task [dreg:s7], $0x5FFFF  }
0x24: {  	[dreg:$0x1] =	wrdreg $0xFFFFFFFF  }
0x25: {  	[dreg:$0x0] =	wrdreg $0x60  }
0x26: {  	[dreg:$0x2] =	wrdreg s2  }
0x27: {  	[dreg:$0x3] =	wrdreg s25  }
0x28: {  	[dreg:$0x4] =	wrdreg $0x9  }
0x29: {  	_ =	task.clear_ibuf [dreg:s7], $0x5FFFF;
	_ =	strace $0x90000046  }
0x2a: {  	s29 =	simm.s32 $0x9;
	_ =	strace $0x80000048  }
0x2b: {  	_ =	swait.ge [sflag:s29], $0x1  }
0x2c: {  	[sflag:s29] =	ssyncadd.s32 $0xFFFFFFFF  }
0x2d: {  	_ =	strace $0x90000048  }
0x2e: {  	_ =	sfence  }
0x2f: {  	s30 =	sld [smem:$0x0];
	_ =	sdelay $0x2  }
0x30: {  	s31 =	sshll.u32 s1, $0xD;
	s1 =	sshrl.u32 s1, $0x2  }
0x31: {  	s3 =	sand.u32 $0x4000, s31;
	s1 =	sadd.s32 s1, s30  }
0x32: {  	s0 =	sor.u32 s3, s0;
	s1 =	sshll.u32 s1, $0x11  }
0x33: {  	s0 =	sor.u32 s1, s0  }
0x34: {  	s0 =	sadd.s32 $0x8F2B, s0  }
0x35: {  	[sflag:s0] =	ssyncadd.remote.s32 $0x1  }
0x36: {  	_ =	sfence.sel $0xFFFF  }
0x37: {  	[dreg:$0x0] =	wrdreg $0xFFFFFFFF;
	(pc) =	sbr.abs _section_cstart, $3  }
0x38: {  	[dreg:$0x1] =	wrdreg $0xFFFFFFFF  }
0x39: {  	_ =	task.clear_ibuf [dreg:s7], $0x2FFFF;
	_ =	strace $0x9FFFFFFF  }
0x3a: {  	(tm) =	ssettm $0x7FFFFFFF  }
0x3b: {  	_ =	shalt  }
tec
execute0_lowered:
.L_overlay_start_1:
0x0: {  	(tag) =	ssettag $0x1  }
0x1: {  	s0 =	srdreg.scid  }
0x2: {  	s1 =	sshll.u32 s0, $0x4  }
0x3: {  	s3 =	rddreg [dreg:$0x0];
	s0 =	stileid.u32;
	s1 =	sand.u32 $0x10, s1  }
0x4: {  	s6 =	rddreg [dreg:$0x1];
	s5 =	simm.s32 $0x1;
	s1 =	sor.u32 s0, s1  }
0x5: {  	s31 =	simm.s32 $0x2;
	s13 =	simm.s32 $0x0;
	s2 =	sshll.u32 s1, $0x7  }
0x6: {  	s8 =	simm.s32 $0x8000;
	s12 =	simm.s32 $0x0;
	s4 =	ssub.s32 $0x1000, s2  }
0x7: {  	s9 =	simm.s32 $0x0;
	s11 =	simm.s32 $0x0;
	s30 =	sand.u32 $0xF80, s4  }
.Ltmp0:
0x8: {  	s6 =	sadd.s32 $0x400, s6;
	p0 =	sne.s32 s30, $0x0;
	(pc) =	sbr.rel .LBB1_1-.Ltmp0, $4  }
0x9: {  	s1 =	rddreg [dreg:$0x2];
	s7 =	sshrl.u32 s4, $0xC;
	s5 =	simm.s32 @!p0 $0x0  }
0xa: {  	_ =	strace $0x80000047;
	s4 =	simm.s32 $0x1;
	s5 =	sadd.s32 s5, s7  }
0xb: {  	s10 =	smov.u32 s2;
	[sflag:s4] =	ssyncpa.u1 $0x0;
	s5 =	sshll.u32 s5, $0x5  }
0xc: {  	[sflag:s31] =	ssyncpa.u1 $0x0;
	p0 =	por $0x0, $0x0;
	s7 =	sor.u32 $0x1, s5  }
.LBB1_4:
0xd: {  	v5 =	vld [tilespmem:s16+$0xFFFFFFD0]  }
0xe: {  	[tilespmem:s17+$0x2040 ss:$0x81] =	vst.msk $0xffff, v1;
	v58 =	vld [tilespmem:s16+$0xFFFFFFE0]  }
0xf: {  	[tilespmem:s17+$0x2850 ss:$0x81] =	vst.msk $0xffff, v2;
	v59 =	vld [tilespmem:s16+$0xFFFFFFF0]  }
0x10: {  	s18 =	sshra.s32 s18, $0x2;
	[tilespmem:s17+$0x3060 ss:$0x81] =	vst.msk $0xffff, v3;
	v60 =	vld [tilespmem:s16+$0x0]  }
0x11: {  	[tilespmem:s17+$0x0 ss:$0x81] =	vst.msk $0xffff, v0;
	v61 =	vld [tilespmem:s16+$0x10];
	s15 =	sadd.s32 s18, s15  }
0x12: {  	s26 =	sshll.u32 s13, $0xC;
	v62 =	vld [tilespmem:s16+$0x20];
	[tilespmem:s15+$0x3870 ss:$0x81] =	vst.msk $0xffff, v4  }
0x13: {  	s27 =	sand.u32 $0x78, s12;
	s19 =	sshll.u32 s12, $0x3;
	v63 =	vld [tilespmem:s16+$0xFFFFFFC0];
	s29 =	sshll.u32 s13, $0x7;
	[tilespmem:s15+$0x810 ss:$0x81] =	vst.msk $0xffff, v5  }
0x14: {  	s17 =	sand.u32 $0xFF8000, s26;
	s28 =	sand.u32 $0xFFFC00, s19;
	s19 =	sand.u32 $0xC00, s19;
	[tilespmem:s15+$0x1020 ss:$0x81] =	vst.msk $0xffff, v58  }
0x15: {  	s13 =	sand.u32 $0x380, s29;
	s16 =	sadd.s32 s28, s17;
	s30 =	sor.u32 s27, s19;
	[tilespmem:s15+$0x1830 ss:$0x81] =	vst.msk $0xffff, v59  }
0x16: {  	s16 =	sand.u32 $0xFFF000, s16;
	s13 =	sor.u32 s13, s30;
	[tilespmem:s15+$0x2040 ss:$0x81] =	vst.msk $0xffff, v60  }
0x17: {  	s31 =	sand.u32 $0x7, s12;
	s13 =	sor.u32 s16, s13;
	[tilespmem:s15+$0x2850 ss:$0x81] =	vst.msk $0xffff, v61  }
0x18: {  	s12 =	sshll.u32 s31, $0x12;
	[tilespmem:s15+$0x3060 ss:$0x81] =	vst.msk $0xffff, v62;
	s13 =	sshrl.u32 s13, $0x3  }
0x19: {  	s12 =	sor.u32 $0x400, s12;
	[tilespmem:s15+$0x0 ss:$0x81] =	vst.msk $0xffff, v63;
	s13 =	sadd.s32 s6, s13  }
0x1a: {  	[hbm4b:s13+s12] =	stream.strided.scatter [tilespmem:s14], [sflag:$0x2], $0x4000, s8, s12, $0x20;
	[tilespmem:$0x10100] =	vst v63  }
.LBB1_5:
0x1b: {  	s14 =	sadd.s32 $0x80, s9  }
0x1c: {  	s12 =	sadd.s32 $0x1000, s10;
	s16 =	smov.u32 s10;
	p2 =	sgt.s32 s14, $0xFFF  }
0x1d: {  	s16 =	smov.u32 @p2 s12  }
0x1e: {  	s14 =	simm.s32 @p2 $0x0;
	p2 =	sgt.s32 s16, $0xFFF  }
0x1f: {  	s16 =	smov.u32 @p2 s2;
	p2 =	sne.s32 s11, s7  }
.Ltmp1:
0x20: {  	p1 =	slt.u32 s11, $0x2;
	(pc) =	sbr.rel @!p2 .LBB1_6-.Ltmp1, $4  }
0x21: {  	s15 =	simm.s32 @!p1 $0x2  }
0x22: {  	s13 =	smov.u32 s9;
	p0 =	por !p0, !p0;
	_ =	swait.ge @!p1 [sflag:s15], $0x4000  }
0x23: {  	s12 =	smov.u32 s10;
	[sflag:s15] =	ssyncset.done @!p1 $0x0;
	s9 =	smov.u32 s14  }
0x24: {  	s11 =	sadd.s32 $0x1, s11;
	[sflag:s15] =	ssyncadd.s32 @!p1 $0xFFFFC000;
	s10 =	smov.u32 s16  }
.LBB1_1:
0x25: {  	p1 =	sge.u32 s11, s5;
	s31 =	sadd.s32 $0xFFFFFFFF, s11  }
0x26: {  	s14 =	sand.u32 @!p1 $0x78, s9;
	s15 =	sshll.u32 @!p1 s10, $0xC;
	s16 =	sshll.u32 @!p1 s10, $0x7  }
0x27: {  	s17 =	sshll.u32 @!p1 s9, $0x3;
	s15 =	sand.u32 @!p1 $0xFF8000, s15;
	s16 =	sand.u32 @!p1 $0x380, s16  }
0x28: {  	s15 =	sadd.s32 @!p1 s15, s17;
	s17 =	sand.u32 @!p1 $0xC00, s17;
	s14 =	sor.u32 @!p1 s16, s14  }
0x29: {  	s16 =	sxor.u32 @!p1 $0xFFFFFFFF, s11;
	s15 =	sand.u32 @!p1 $0xFFF000, s15;
	s14 =	sor.u32 @!p1 s17, s14  }
0x2a: {  	s16 =	sshll.u32 @!p1 s16, $0xE;
	s14 =	sor.u32 @!p1 s15, s14;
	s15 =	sand.u32 @!p1 $0x7, s9  }
0x2b: {  	s17 =	simm.s32 @!p1 $0x8000;
	s14 =	sshrl.u32 @!p1 s14, $0x3;
	s15 =	sshll.u32 @!p1 s15, $0x12  }
0x2c: {  	s16 =	sand.u32 @!p1 $0x4000, s16;
	s14 =	sadd.s32 @!p1 s3, s14;
	s15 =	sor.u32 @!p1 $0x400, s15  }
0x2d: {  	[tilespmem:s16], [sflag:$0x1] =	stream.strided.gather @!p1 [hbm4b:s14+s15], $0x4000, s17, s15, $0x38;
	[tilespmem:$0x10100] =	vst v63  }
0x2e: {  	p1 =	sge.u32 s31, s5  }
.Ltmp2:
0x2f: {  	_ = 	snop;
	(pc) =	sbr.rel @p1 .LBB1_5-.Ltmp2, $1  }
0x30: {  	_ =	sdelay $0x3  }
0x31: {  	s14 =	simm.s32 $0x1  }
0x32: {  	_ =	swait.ge [sflag:s4], $0x4000;
	s14 =	simm.s32 @!p0 $0x0  }
0x33: {  	[sflag:s4] =	ssyncset.done $0x0;
	s15 =	sshll.u32 s14, $0xE  }
0x34: {  	[sflag:s4] =	ssyncadd.s32 $0xFFFFC000;
	s16 =	sor.u32 $0x40, s15  }
0x35: {  	s14 =	smul.u32 $0x10200, s14;
	v0 =	vld [tilespmem:s16+$0x30]  }
0x36: {  	v3 =	vld [tilespmem:s16+$0xFFFFFFD0]  }
0x37: {  	s14 =	sshrl.u32 s14, $0x2;
	v4 =	vld [tilespmem:s16+$0xFFFFFFE0]  }
0x38: {  	v5 =	vld [tilespmem:s16+$0xFFFFFFF0];
	s15 =	sor.u32 $0x8000, s14  }
0x39: {  	s31 =	sand.u32 $0x1, s11;
	v1 =	vld [tilespmem:s16+$0x0];
	s17 =	sadd.s32 $0x0, s15  }
0x3a: {  	v2 =	vld [tilespmem:s16+$0x10];
	s14 =	smul.u32 $0x10200, s31;
	[tilespmem:s17+$0x3870 ss:$0x81] =	vst.msk $0xffff, v0  }
0x3b: {  	[tilespmem:s17+$0x810 ss:$0x81] =	vst.msk $0xffff, v3;
	v3 =	vld [tilespmem:s16+$0x20]  }
0x3c: {  	s14 =	sshrl.u32 s14, $0x2;
	v0 =	vld [tilespmem:s16+$0xFFFFFFC0];
	[tilespmem:s17+$0x1020 ss:$0x81] =	vst.msk $0xffff, v4;
	s16 =	sadd.s32 $0x80, s16  }
0x3d: {  	s18 =	simm.s32 $0x4;
	s19 =	simm.s32 $0x8;
	s14 =	sor.u32 $0x8000, s14;
	[tilespmem:s17+$0x1830 ss:$0x81] =	vst.msk $0xffff, v5;
	v4 =	vld [tilespmem:s16+$0x30]  }
.LBB1_3:
0x3e: {  	p1 =	sne.s32 s19, $0x1FC;
	v5 =	vld [tilespmem:s16+$0xFFFFFFD0];
	[tilespmem:s17+$0x2040 ss:$0x81] =	vst.msk $0xffff, v1  }
0x3f: {  	v6 =	vld [tilespmem:s16+$0xFFFFFFE0];
	[tilespmem:s17+$0x2850 ss:$0x81] =	vst.msk $0xffff, v2  }
0x40: {  	s20 =	sshra.s32 s18, $0x2;
	s18 =	smov.u32 s19;
	v7 =	vld [tilespmem:s16+$0xFFFFFFF0];
	[tilespmem:s17+$0x3060 ss:$0x81] =	vst.msk $0xffff, v3  }
.Ltmp3:
0x41: {  	v1 =	vld [tilespmem:s16+$0x0];
	[tilespmem:s17+$0x0 ss:$0x81] =	vst.msk $0xffff, v0;
	s17 =	sadd.s32 s20, s15;
	(pc) =	sbr.rel @p1 .LBB1_3-.Ltmp3, $4  }
0x42: {  	v2 =	vld [tilespmem:s16+$0x10];
	[tilespmem:s17+$0x3870 ss:$0x81] =	vst.msk $0xffff, v4  }
0x43: {  	[tilespmem:s17+$0x810 ss:$0x81] =	vst.msk $0xffff, v5;
	v3 =	vld [tilespmem:s16+$0x20]  }
0x44: {  	v0 =	vld [tilespmem:s16+$0xFFFFFFC0];
	[tilespmem:s17+$0x1020 ss:$0x81] =	vst.msk $0xffff, v6;
	s16 =	sadd.s32 $0x80, s16  }
0x45: {  	s19 =	sadd.s32 $0x4, s19;
	v4 =	vld [tilespmem:s16+$0x30];
	[tilespmem:s17+$0x1830 ss:$0x81] =	vst.msk $0xffff, v7  }
.Ltmp4:
0x46: {  	_ = 	snop;
	(pc) =	sbr.rel .LBB1_4-.Ltmp4, $1  }
0x47: {  	_ =	sdelay $0x3  }
.LBB1_6:
0x48: {  	_ =	sfence.sel $0x180000  }
0x49: {  	s2 =	simm.s32 $0x1;
	[bflag:$0x0] =	sbarrier.arrive $0xFFFF  }
0x4a: {  	s31 =	simm.s32 $0x2;
	[sflag:s2] =	ssyncpa.u1 $0x1  }
0x4b: {  	[sflag:s31] =	ssyncpa.u1 $0x1  }
0x4c: {  	p0 =	sne.s32 s0, $0x0;
	_ =	strace $0x90000047  }
0x4d: {  	s0 =	sadd.s32 @!p0 $0x100000, s1;
	[bflag:$0x2] =	sbarrier.arrive $0xFFFF  }
0x4e: {  	[sflag:s0] =	ssyncadd.tile.s32 @!p0 $0x1;
	_ =	shalt  }
.Lfunc_end1:
_tile_overlayer_lowered:
.L_overlay_start_2:
0x4f: {  	(tag) =	ssettag $0x2  }
0x50: {  	s0 =	rddreg [dreg:$0x0];
	s2 =	stileid.u32  }
0x51: {  	s1 =	rddreg [dreg:$0x1];
	p0 =	sne.s32 s2, $0x0  }
0x52: {  	s3 =	rddreg [dreg:$0x2];
	[bflag:$0x3] =	sbarrier.arrive $0xFFFF;
	s2 =	simm.s32 @!p0 $0x1C01  }
0x53: {  	[timem:s3], [sflag:s2] =	dma.local @!p0 [hbm:s0], s1  }
0x54: {  	s0 =	simm.s32 @!p0 $0x1  }
0x55: {  	_ =	swait.ge @!p0 [sflag:s0], s1  }
0x56: {  	s1 =	ssub.s32 @!p0 $0x0, s1;
	[sflag:s0] =	ssyncset.done @!p0 $0x0  }
0x57: {  	[sflag:s0] =	ssyncadd.s32 @!p0 s1  }
0x58: {  	[bflag:$0x3] =	sbarrier.arrive $0xFFFF  }
0x59: {  	_ =	shalt  }

</sc_bundles>
